<compile_context>
chip_gen: v7x
topology: tpu7x:2x2x1
jax: 0.10.2.dev20260603
libtpu: 0.0.44.dev20260713+nightly
codegen_flags: <defaults>
</compile_context>

<pallas_src>
import functools

import jax
import jax.numpy as jnp
from jax import lax
from jax.experimental import pallas as pl
from jax.experimental.pallas import tpu as pltpu
from jax.experimental.pallas import tpu_sc as plsc

B = 16384
D = 64
K = 20
NC = 2
NS = 16
L = 16
NW = NC * NS
PER_W = B // NW
C = 32
NCHUNK = PER_W // C
NEG_IDX_GROUPS = (C * K) // 128


def _sc_body(center_tbl, context_tbl, cidx_hbm, xidx_hbm, nidx_hbm,
             pos_hbm, neg_hbm,
             cidx_v, xidx_v, nidx_v, crows, xrows, nrows, posbuf, negbuf,
             sem):
  wid = lax.axis_index("c") * NS + lax.axis_index("s")
  base = wid * PER_W

  pltpu.sync_copy(cidx_hbm.at[wid], cidx_v)
  pltpu.sync_copy(xidx_hbm.at[wid], xidx_v)
  pltpu.sync_copy(nidx_hbm.at[wid], nidx_v)

  def chunk_body(i, carry):
    cps = [
        pltpu.async_copy(center_tbl.at[cidx_v.at[i]], crows, sem),
        pltpu.async_copy(context_tbl.at[xidx_v.at[i]], xrows, sem),
    ]
    for j in range(NEG_IDX_GROUPS):
      cps.append(pltpu.async_copy(context_tbl.at[nidx_v.at[i, j]],
                                  nrows.at[pl.ds(j * 128, 128)], sem))
    for cp in cps:
      cp.wait()

    for g in range(C // L):
      eids = g * L + lax.iota(jnp.int32, L)

      def dbody(d, accs):
        dv = jnp.full((L,), d, jnp.int32)
        c = plsc.load_gather(crows, [eids, dv])
        x = plsc.load_gather(xrows, [eids, dv])
        out = [accs[0] + c * x]
        for k in range(K):
          n = plsc.load_gather(nrows, [eids * K + k, dv])
          out.append(accs[k + 1] + c * n)
        return tuple(out)

      accs = lax.fori_loop(
          0, D, dbody,
          tuple(jnp.zeros((L,), jnp.float32) for _ in range(K + 1)))
      posbuf[pl.ds(g * L, L)] = accs[0]
      for k in range(K):
        plsc.store_scatter(negbuf, [eids, jnp.full((L,), k, jnp.int32)],
                           accs[k + 1])

    pltpu.sync_copy(posbuf, pos_hbm.at[pl.ds(base + i * C, C)])
    pltpu.sync_copy(negbuf, neg_hbm.at[pl.ds(base + i * C, C)])
    return carry

  lax.fori_loop(0, NCHUNK, chunk_body, 0)


_sc_scores = functools.partial(
    pl.kernel,
    out_type=(
        jax.ShapeDtypeStruct((B,), jnp.float32),
        jax.ShapeDtypeStruct((B, K), jnp.float32),
    ),
    mesh=plsc.VectorSubcoreMesh(core_axis_name="c", subcore_axis_name="s"),
    scratch_types=(
        pltpu.VMEM((NCHUNK, C), jnp.int32),
        pltpu.VMEM((NCHUNK, C), jnp.int32),
        pltpu.VMEM((NCHUNK, NEG_IDX_GROUPS, 128), jnp.int32),
        pltpu.VMEM((C, D), jnp.float32),
        pltpu.VMEM((C, D), jnp.float32),
        pltpu.VMEM((C * K, D), jnp.float32),
        pltpu.VMEM((C,), jnp.float32),
        pltpu.VMEM((C, K), jnp.float32),
        pltpu.SemaphoreType.DMA,
    ),
    compiler_params=pltpu.CompilerParams(needs_layout_passes=False,
                                         use_tc_tiling_on_sc=False),
)(_sc_body)


def _log_sigmoid(x):
  return jnp.minimum(x, 0.0) - jnp.log1p(jnp.exp(-jnp.abs(x)))


def _loss_body(pos_ref, neg_ref, out_ref):
  t1 = jnp.sum(_log_sigmoid(pos_ref[...]))
  t2 = jnp.sum(_log_sigmoid(-neg_ref[...]))
  loss = -(t1 + t2) / jnp.float32(2 * B)
  out_ref[...] = jnp.full((1, 1), loss, jnp.float32)


_loss_call = pl.pallas_call(
    _loss_body,
    out_shape=jax.ShapeDtypeStruct((1, 1), jnp.float32),
)


@jax.jit
def kernel(center_table, context_table, center_word_indices,
           context_word_indices, negative_word_indices):
  cidx = center_word_indices.astype(jnp.int32).reshape(NW, NCHUNK, C)
  xidx = context_word_indices.astype(jnp.int32).reshape(NW, NCHUNK, C)
  nidx = negative_word_indices.astype(jnp.int32).reshape(
      NW, NCHUNK, NEG_IDX_GROUPS, 128)
  pos, neg = _sc_scores(center_table, context_table, cidx, xidx, nidx)
  loss = _loss_call(pos.reshape(B // 128, 128),
                    neg.reshape((B * K) // 128, 128))
  return loss[0, 0]

# --- scband reference (transcript-rebuilt; emitter-appended) ---
"""Pipeline reference for scband-sgnsmodel-48979807043623 (READ-ONLY COPY).

The authoritative reference and input builder live on the scoring server;
editing this copy changes nothing except your own understanding.
"""

import jax, jax.numpy as jnp
import numpy as np

VOCAB = 100000
DIM = 64
BATCH = 16384
NEG = 20

def setup_inputs(seed: int = 0) -> dict:
    key = jax.random.key(seed)
    k1, k2, k3, k4, k5 = jax.random.split(key, 5)
    initrange = 0.5 / DIM
    center_table = jax.random.uniform(k1, (VOCAB, DIM), dtype=jnp.float32, minval=-initrange, maxval=initrange)
    context_table = jax.random.uniform(k2, (VOCAB, DIM), dtype=jnp.float32, minval=-initrange, maxval=initrange)
    center_word_indices = jax.random.randint(k3, (BATCH,), 0, VOCAB, dtype=jnp.int64 if jax.config.jax_enable_x64 else jnp.int32)
    context_word_indices = jax.random.randint(k4, (BATCH,), 0, VOCAB, dtype=jnp.int64 if jax.config.jax_enable_x64 else jnp.int32)
    negative_word_indices = jax.random.randint(k5, (BATCH, NEG), 0, VOCAB, dtype=jnp.int64 if jax.config.jax_enable_x64 else jnp.int32)
    return {
        'center_table': center_table,
        'context_table': context_table,
        'center_word_indices': center_word_indices,
        'context_word_indices': context_word_indices,
        'negative_word_indices': negative_word_indices,
    }

def reference(center_table, context_table, center_word_indices, context_word_indices, negative_word_indices):
    # embedding lookups (SparseCore gather)
    center_embeds = jnp.take(center_table, center_word_indices, axis=0)      # [B, D]
    context_embeds = jnp.take(context_table, context_word_indices, axis=0)   # [B, D]
    positive_scores = jnp.sum(center_embeds * context_embeds, axis=1)        # [B]
    log_target = jax.nn.log_sigmoid(positive_scores)
    negative_embeds = jnp.take(context_table, negative_word_indices, axis=0) # [B, K, D]
    # bmm(negative_embeds, center_embeds.unsqueeze(2)).squeeze(2)
    negative_scores = jnp.einsum('bkd,bd->bk', negative_embeds, center_embeds)  # [B, K]
    sum_log_sampled = jax.nn.log_sigmoid(-1.0 * negative_scores)
    denom = positive_scores.shape[0] + negative_scores.shape[0]  # len() semantics: B + B
    loss = -1.0 * (jnp.sum(log_target) + jnp.sum(sum_log_sampled)) / denom
    return loss

if __name__ == "__main__":
    import jax
    _d = setup_inputs()
    print(jax.jit(kernel)(*tuple(_d.values())))

</pallas_src>

<mosaic_0001>
#map = affine_map<(d0, d1) -> (0, 0)>
#map1 = affine_map<(d0, d1) -> (0, 0, 0)>
#map2 = affine_map<(d0, d1) -> (0, 0, 0, 0)>
#map3 = affine_map<(d0, d1) -> (0)>
module attributes {stable_mosaic.version = 14 : i64} {
  func.func @_sc_body(%arg0: i32, %arg1: i32, %arg2: memref<100000x64xf32, #tpu.memory_space<hbm>>, %arg3: memref<100000x64xf32, #tpu.memory_space<hbm>>, %arg4: memref<32x16x32xi32, #tpu.memory_space<hbm>>, %arg5: memref<32x16x32xi32, #tpu.memory_space<hbm>>, %arg6: memref<32x16x5x128xi32, #tpu.memory_space<hbm>>, %arg7: memref<16384xf32, #tpu.memory_space<hbm>>, %arg8: memref<16384x20xf32, #tpu.memory_space<hbm>>, %arg9: memref<16x32xi32, #tpu.memory_space<vmem>>, %arg10: memref<16x32xi32, #tpu.memory_space<vmem>>, %arg11: memref<16x5x128xi32, #tpu.memory_space<vmem>>, %arg12: memref<32x64xf32, #tpu.memory_space<vmem>>, %arg13: memref<32x64xf32, #tpu.memory_space<vmem>>, %arg14: memref<640x64xf32, #tpu.memory_space<vmem>>, %arg15: memref<32xf32, #tpu.memory_space<vmem>>, %arg16: memref<32x20xf32, #tpu.memory_space<vmem>>, %arg17: memref<!tpu.dma_semaphore, #tpu.memory_space<semaphore_mem>>) attributes {dimension_semantics = [#tpu.dimension_semantics<core_parallel>, #tpu.dimension_semantics<subcore_parallel>], iteration_bounds = array<i64: 2, 16>, scalar_prefetch = 0 : i64, scratch_operands = 9 : i64, tpu.core_type = #tpu.core_type<sc_vector_subcore>, window_params = [{transform_indices = #map}, {transform_indices = #map}, {transform_indices = #map1}, {transform_indices = #map1}, {transform_indices = #map2}, {transform_indices = #map3}, {transform_indices = #map}]} {
    %mul3A = arith.constant 16 : i32
    %mul3A_0 = arith.muli %arg0, %mul3A : i32
    %add3A = arith.addi %mul3A_0, %arg1 : i32
    %mul3A_1 = arith.constant 512 : i32
    %mul3A_2 = arith.muli %add3A, %mul3A_1 : i32
    "tpu.region"() ({
      %run_scoped3A = tpu.sem_alloc : memref<!tpu.dma_semaphore, #tpu.memory_space<semaphore_mem>>
      %dma_start3A = arith.constant 0 : i32
      %dma_start3A_8 = arith.constant 0 : i32
      %dma_start3A_9 = tpu.memref_slice %arg4[%add3A, %dma_start3A, %dma_start3A_8] : memref<32x16x32xi32, #tpu.memory_space<hbm>> -> memref<1x16x32xi32, #tpu.memory_space<hbm>>
      %dma_start3A_10 = tpu.memref_squeeze %dma_start3A_9 : memref<1x16x32xi32, #tpu.memory_space<hbm>> -> memref<16x32xi32, #tpu.memory_space<hbm>>
      %dma_start3A_11 = arith.constant 0 : i32
      %dma_start3A_12 = arith.constant 0 : i32
      %dma_start3A_13 = tpu.memref_slice %arg4[%add3A, %dma_start3A_11, %dma_start3A_12] : memref<32x16x32xi32, #tpu.memory_space<hbm>> -> memref<1x16x32xi32, #tpu.memory_space<hbm>>
      %dma_start3A_14 = tpu.memref_squeeze %dma_start3A_13 : memref<1x16x32xi32, #tpu.memory_space<hbm>> -> memref<16x32xi32, #tpu.memory_space<hbm>>
      tpu.enqueue_dma source(%dma_start3A_14 : memref<16x32xi32, #tpu.memory_space<hbm>>) target(%arg9 : memref<16x32xi32, #tpu.memory_space<vmem>>) target_semaphore(%run_scoped3A : memref<!tpu.dma_semaphore, #tpu.memory_space<semaphore_mem>>)
      %dma_wait3A = arith.constant 0 : i32
      %dma_wait3A_15 = arith.constant 0 : i32
      %dma_wait3A_16 = tpu.memref_slice %arg4[%add3A, %dma_wait3A, %dma_wait3A_15] : memref<32x16x32xi32, #tpu.memory_space<hbm>> -> memref<1x16x32xi32, #tpu.memory_space<hbm>>
      %dma_wait3A_17 = tpu.memref_squeeze %dma_wait3A_16 : memref<1x16x32xi32, #tpu.memory_space<hbm>> -> memref<16x32xi32, #tpu.memory_space<hbm>>
      %dma_wait3A_18 = arith.constant 0 : i32
      %dma_wait3A_19 = arith.constant 0 : i32
      %dma_wait3A_20 = tpu.memref_slice %arg4[%add3A, %dma_wait3A_18, %dma_wait3A_19] : memref<32x16x32xi32, #tpu.memory_space<hbm>> -> memref<1x16x32xi32, #tpu.memory_space<hbm>>
      %dma_wait3A_21 = tpu.memref_squeeze %dma_wait3A_20 : memref<1x16x32xi32, #tpu.memory_space<hbm>> -> memref<16x32xi32, #tpu.memory_space<hbm>>
      tpu.wait_dma2 semaphore(%run_scoped3A : memref<!tpu.dma_semaphore, #tpu.memory_space<semaphore_mem>>) src(%dma_wait3A_21 : memref<16x32xi32, #tpu.memory_space<hbm>>) dst(%arg9 : memref<16x32xi32, #tpu.memory_space<vmem>>)
      tpu.yield
    }) : () -> ()
    "tpu.region"() ({
      %run_scoped3A = tpu.sem_alloc : memref<!tpu.dma_semaphore, #tpu.memory_space<semaphore_mem>>
      %dma_start3A = arith.constant 0 : i32
      %dma_start3A_8 = arith.constant 0 : i32
      %dma_start3A_9 = tpu.memref_slice %arg5[%add3A, %dma_start3A, %dma_start3A_8] : memref<32x16x32xi32, #tpu.memory_space<hbm>> -> memref<1x16x32xi32, #tpu.memory_space<hbm>>
      %dma_start3A_10 = tpu.memref_squeeze %dma_start3A_9 : memref<1x16x32xi32, #tpu.memory_space<hbm>> -> memref<16x32xi32, #tpu.memory_space<hbm>>
      %dma_start3A_11 = arith.constant 0 : i32
      %dma_start3A_12 = arith.constant 0 : i32
      %dma_start3A_13 = tpu.memref_slice %arg5[%add3A, %dma_start3A_11, %dma_start3A_12] : memref<32x16x32xi32, #tpu.memory_space<hbm>> -> memref<1x16x32xi32, #tpu.memory_space<hbm>>
      %dma_start3A_14 = tpu.memref_squeeze %dma_start3A_13 : memref<1x16x32xi32, #tpu.memory_space<hbm>> -> memref<16x32xi32, #tpu.memory_space<hbm>>
      tpu.enqueue_dma source(%dma_start3A_14 : memref<16x32xi32, #tpu.memory_space<hbm>>) target(%arg10 : memref<16x32xi32, #tpu.memory_space<vmem>>) target_semaphore(%run_scoped3A : memref<!tpu.dma_semaphore, #tpu.memory_space<semaphore_mem>>)
      %dma_wait3A = arith.constant 0 : i32
      %dma_wait3A_15 = arith.constant 0 : i32
      %dma_wait3A_16 = tpu.memref_slice %arg5[%add3A, %dma_wait3A, %dma_wait3A_15] : memref<32x16x32xi32, #tpu.memory_space<hbm>> -> memref<1x16x32xi32, #tpu.memory_space<hbm>>
      %dma_wait3A_17 = tpu.memref_squeeze %dma_wait3A_16 : memref<1x16x32xi32, #tpu.memory_space<hbm>> -> memref<16x32xi32, #tpu.memory_space<hbm>>
      %dma_wait3A_18 = arith.constant 0 : i32
      %dma_wait3A_19 = arith.constant 0 : i32
      %dma_wait3A_20 = tpu.memref_slice %arg5[%add3A, %dma_wait3A_18, %dma_wait3A_19] : memref<32x16x32xi32, #tpu.memory_space<hbm>> -> memref<1x16x32xi32, #tpu.memory_space<hbm>>
      %dma_wait3A_21 = tpu.memref_squeeze %dma_wait3A_20 : memref<1x16x32xi32, #tpu.memory_space<hbm>> -> memref<16x32xi32, #tpu.memory_space<hbm>>
      tpu.wait_dma2 semaphore(%run_scoped3A : memref<!tpu.dma_semaphore, #tpu.memory_space<semaphore_mem>>) src(%dma_wait3A_21 : memref<16x32xi32, #tpu.memory_space<hbm>>) dst(%arg10 : memref<16x32xi32, #tpu.memory_space<vmem>>)
      tpu.yield
    }) : () -> ()
    "tpu.region"() ({
      %run_scoped3A = tpu.sem_alloc : memref<!tpu.dma_semaphore, #tpu.memory_space<semaphore_mem>>
      %dma_start3A = arith.constant 0 : i32
      %dma_start3A_8 = arith.constant 0 : i32
      %dma_start3A_9 = arith.constant 0 : i32
      %dma_start3A_10 = tpu.memref_slice %arg6[%add3A, %dma_start3A, %dma_start3A_8, %dma_start3A_9] : memref<32x16x5x128xi32, #tpu.memory_space<hbm>> -> memref<1x16x5x128xi32, #tpu.memory_space<hbm>>
      %dma_start3A_11 = tpu.memref_squeeze %dma_start3A_10 : memref<1x16x5x128xi32, #tpu.memory_space<hbm>> -> memref<16x5x128xi32, #tpu.memory_space<hbm>>
      %dma_start3A_12 = arith.constant 0 : i32
      %dma_start3A_13 = arith.constant 0 : i32
      %dma_start3A_14 = arith.constant 0 : i32
      %dma_start3A_15 = tpu.memref_slice %arg6[%add3A, %dma_start3A_12, %dma_start3A_13, %dma_start3A_14] : memref<32x16x5x128xi32, #tpu.memory_space<hbm>> -> memref<1x16x5x128xi32, #tpu.memory_space<hbm>>
      %dma_start3A_16 = tpu.memref_squeeze %dma_start3A_15 : memref<1x16x5x128xi32, #tpu.memory_space<hbm>> -> memref<16x5x128xi32, #tpu.memory_space<hbm>>
      tpu.enqueue_dma source(%dma_start3A_16 : memref<16x5x128xi32, #tpu.memory_space<hbm>>) target(%arg11 : memref<16x5x128xi32, #tpu.memory_space<vmem>>) target_semaphore(%run_scoped3A : memref<!tpu.dma_semaphore, #tpu.memory_space<semaphore_mem>>)
      %dma_wait3A = arith.constant 0 : i32
      %dma_wait3A_17 = arith.constant 0 : i32
      %dma_wait3A_18 = arith.constant 0 : i32
      %dma_wait3A_19 = tpu.memref_slice %arg6[%add3A, %dma_wait3A, %dma_wait3A_17, %dma_wait3A_18] : memref<32x16x5x128xi32, #tpu.memory_space<hbm>> -> memref<1x16x5x128xi32, #tpu.memory_space<hbm>>
      %dma_wait3A_20 = tpu.memref_squeeze %dma_wait3A_19 : memref<1x16x5x128xi32, #tpu.memory_space<hbm>> -> memref<16x5x128xi32, #tpu.memory_space<hbm>>
      %dma_wait3A_21 = arith.constant 0 : i32
      %dma_wait3A_22 = arith.constant 0 : i32
      %dma_wait3A_23 = arith.constant 0 : i32
      %dma_wait3A_24 = tpu.memref_slice %arg6[%add3A, %dma_wait3A_21, %dma_wait3A_22, %dma_wait3A_23] : memref<32x16x5x128xi32, #tpu.memory_space<hbm>> -> memref<1x16x5x128xi32, #tpu.memory_space<hbm>>
      %dma_wait3A_25 = tpu.memref_squeeze %dma_wait3A_24 : memref<1x16x5x128xi32, #tpu.memory_space<hbm>> -> memref<16x5x128xi32, #tpu.memory_space<hbm>>
      tpu.wait_dma2 semaphore(%run_scoped3A : memref<!tpu.dma_semaphore, #tpu.memory_space<semaphore_mem>>) src(%dma_wait3A_25 : memref<16x5x128xi32, #tpu.memory_space<hbm>>) dst(%arg11 : memref<16x5x128xi32, #tpu.memory_space<vmem>>)
      tpu.yield
    }) : () -> ()
    %scan3A = arith.constant 0 : i32
    %scan3A_3 = arith.constant 0 : i32
    %scan3A_4 = arith.constant 16 : i32
    %scan3A_5 = arith.addi %scan3A_3, %scan3A_4 : i32
    %scan3A_6 = arith.constant 1 : i32
    scf.for %scan3A_8 = %scan3A_3 to %scan3A_5 step %scan3A_6  : i32 {
      %dma_start3A = arith.constant 0 : i32
      %dma_start3A_9 = tpu.memref_slice %arg9[%scan3A_8, %dma_start3A] : memref<16x32xi32, #tpu.memory_space<vmem>> -> memref<1x32xi32, #tpu.memory_space<vmem>>
      %dma_start3A_10 = tpu.memref_squeeze %dma_start3A_9 : memref<1x32xi32, #tpu.memory_space<vmem>> -> memref<32xi32, #tpu.memory_space<vmem>>
      %dma_start3A_11 = arith.constant 0 : i32
      %dma_start3A_12 = arith.constant 0 : i32
      %dma_start3A_13 = tpu.memref_slice %arg2[%dma_start3A_11, %dma_start3A_12] : memref<100000x64xf32, #tpu.memory_space<hbm>> -> memref<100000x64xf32, #tpu.memory_space<hbm>>
      tpu.enqueue_indirect_dma source(%dma_start3A_13 : memref<100000x64xf32, #tpu.memory_space<hbm>>) target(%arg12 : memref<32x64xf32, #tpu.memory_space<vmem>>) offsets(%dma_start3A_10 : memref<32xi32, #tpu.memory_space<vmem>>) semaphore(%arg17 : memref<!tpu.dma_semaphore, #tpu.memory_space<semaphore_mem>>)
      %dma_start3A_14 = arith.constant 0 : i32
      %dma_start3A_15 = tpu.memref_slice %arg10[%scan3A_8, %dma_start3A_14] : memref<16x32xi32, #tpu.memory_space<vmem>> -> memref<1x32xi32, #tpu.memory_space<vmem>>
      %dma_start3A_16 = tpu.memref_squeeze %dma_start3A_15 : memref<1x32xi32, #tpu.memory_space<vmem>> -> memref<32xi32, #tpu.memory_space<vmem>>
      %dma_start3A_17 = arith.constant 0 : i32
      %dma_start3A_18 = arith.constant 0 : i32
      %dma_start3A_19 = tpu.memref_slice %arg3[%dma_start3A_17, %dma_start3A_18] : memref<100000x64xf32, #tpu.memory_space<hbm>> -> memref<100000x64xf32, #tpu.memory_space<hbm>>
      tpu.enqueue_indirect_dma source(%dma_start3A_19 : memref<100000x64xf32, #tpu.memory_space<hbm>>) target(%arg13 : memref<32x64xf32, #tpu.memory_space<vmem>>) offsets(%dma_start3A_16 : memref<32xi32, #tpu.memory_space<vmem>>) semaphore(%arg17 : memref<!tpu.dma_semaphore, #tpu.memory_space<semaphore_mem>>)
      %dma_start3A_20 = arith.constant 0 : i32
      %dma_start3A_21 = arith.constant 0 : i32
      %dma_start3A_22 = arith.constant 0 : i32
      %dma_start3A_23 = tpu.memref_slice %arg14[%dma_start3A_21, %dma_start3A_22] : memref<640x64xf32, #tpu.memory_space<vmem>> -> memref<128x64xf32, #tpu.memory_space<vmem>>
      %dma_start3A_24 = arith.constant 0 : i32
      %dma_start3A_25 = tpu.memref_slice %arg11[%scan3A_8, %dma_start3A_20, %dma_start3A_24] : memref<16x5x128xi32, #tpu.memory_space<vmem>> -> memref<1x1x128xi32, #tpu.memory_space<vmem>>
      %dma_start3A_26 = tpu.memref_squeeze %dma_start3A_25 : memref<1x1x128xi32, #tpu.memory_space<vmem>> -> memref<128xi32, #tpu.memory_space<vmem>>
      %dma_start3A_27 = arith.constant 0 : i32
      %dma_start3A_28 = arith.constant 0 : i32
      %dma_start3A_29 = tpu.memref_slice %arg3[%dma_start3A_27, %dma_start3A_28] : memref<100000x64xf32, #tpu.memory_space<hbm>> -> memref<100000x64xf32, #tpu.memory_space<hbm>>
      tpu.enqueue_indirect_dma source(%dma_start3A_29 : memref<100000x64xf32, #tpu.memory_space<hbm>>) target(%dma_start3A_23 : memref<128x64xf32, #tpu.memory_space<vmem>>) offsets(%dma_start3A_26 : memref<128xi32, #tpu.memory_space<vmem>>) semaphore(%arg17 : memref<!tpu.dma_semaphore, #tpu.memory_space<semaphore_mem>>)
      %dma_start3A_30 = arith.constant 1 : i32
      %dma_start3A_31 = arith.constant 128 : i32
      %dma_start3A_32 = arith.constant 0 : i32
      %dma_start3A_33 = tpu.memref_slice %arg14[%dma_start3A_31, %dma_start3A_32] : memref<640x64xf32, #tpu.memory_space<vmem>> -> memref<128x64xf32, #tpu.memory_space<vmem>>
      %dma_start3A_34 = arith.constant 0 : i32
      %dma_start3A_35 = tpu.memref_slice %arg11[%scan3A_8, %dma_start3A_30, %dma_start3A_34] : memref<16x5x128xi32, #tpu.memory_space<vmem>> -> memref<1x1x128xi32, #tpu.memory_space<vmem>>
      %dma_start3A_36 = tpu.memref_squeeze %dma_start3A_35 : memref<1x1x128xi32, #tpu.memory_space<vmem>> -> memref<128xi32, #tpu.memory_space<vmem>>
      %dma_start3A_37 = arith.constant 0 : i32
      %dma_start3A_38 = arith.constant 0 : i32
      %dma_start3A_39 = tpu.memref_slice %arg3[%dma_start3A_37, %dma_start3A_38] : memref<100000x64xf32, #tpu.memory_space<hbm>> -> memref<100000x64xf32, #tpu.memory_space<hbm>>
      tpu.enqueue_indirect_dma source(%dma_start3A_39 : memref<100000x64xf32, #tpu.memory_space<hbm>>) target(%dma_start3A_33 : memref<128x64xf32, #tpu.memory_space<vmem>>) offsets(%dma_start3A_36 : memref<128xi32, #tpu.memory_space<vmem>>) semaphore(%arg17 : memref<!tpu.dma_semaphore, #tpu.memory_space<semaphore_mem>>)
      %dma_start3A_40 = arith.constant 2 : i32
      %dma_start3A_41 = arith.constant 256 : i32
      %dma_start3A_42 = arith.constant 0 : i32
      %dma_start3A_43 = tpu.memref_slice %arg14[%dma_start3A_41, %dma_start3A_42] : memref<640x64xf32, #tpu.memory_space<vmem>> -> memref<128x64xf32, #tpu.memory_space<vmem>>
      %dma_start3A_44 = arith.constant 0 : i32
      %dma_start3A_45 = tpu.memref_slice %arg11[%scan3A_8, %dma_start3A_40, %dma_start3A_44] : memref<16x5x128xi32, #tpu.memory_space<vmem>> -> memref<1x1x128xi32, #tpu.memory_space<vmem>>
      %dma_start3A_46 = tpu.memref_squeeze %dma_start3A_45 : memref<1x1x128xi32, #tpu.memory_space<vmem>> -> memref<128xi32, #tpu.memory_space<vmem>>
      %dma_start3A_47 = arith.constant 0 : i32
      %dma_start3A_48 = arith.constant 0 : i32
      %dma_start3A_49 = tpu.memref_slice %arg3[%dma_start3A_47, %dma_start3A_48] : memref<100000x64xf32, #tpu.memory_space<hbm>> -> memref<100000x64xf32, #tpu.memory_space<hbm>>
      tpu.enqueue_indirect_dma source(%dma_start3A_49 : memref<100000x64xf32, #tpu.memory_space<hbm>>) target(%dma_start3A_43 : memref<128x64xf32, #tpu.memory_space<vmem>>) offsets(%dma_start3A_46 : memref<128xi32, #tpu.memory_space<vmem>>) semaphore(%arg17 : memref<!tpu.dma_semaphore, #tpu.memory_space<semaphore_mem>>)
      %dma_start3A_50 = arith.constant 3 : i32
      %dma_start3A_51 = arith.constant 384 : i32
      %dma_start3A_52 = arith.constant 0 : i32
      %dma_start3A_53 = tpu.memref_slice %arg14[%dma_start3A_51, %dma_start3A_52] : memref<640x64xf32, #tpu.memory_space<vmem>> -> memref<128x64xf32, #tpu.memory_space<vmem>>
      %dma_start3A_54 = arith.constant 0 : i32
      %dma_start3A_55 = tpu.memref_slice %arg11[%scan3A_8, %dma_start3A_50, %dma_start3A_54] : memref<16x5x128xi32, #tpu.memory_space<vmem>> -> memref<1x1x128xi32, #tpu.memory_space<vmem>>
      %dma_start3A_56 = tpu.memref_squeeze %dma_start3A_55 : memref<1x1x128xi32, #tpu.memory_space<vmem>> -> memref<128xi32, #tpu.memory_space<vmem>>
      %dma_start3A_57 = arith.constant 0 : i32
      %dma_start3A_58 = arith.constant 0 : i32
      %dma_start3A_59 = tpu.memref_slice %arg3[%dma_start3A_57, %dma_start3A_58] : memref<100000x64xf32, #tpu.memory_space<hbm>> -> memref<100000x64xf32, #tpu.memory_space<hbm>>
      tpu.enqueue_indirect_dma source(%dma_start3A_59 : memref<100000x64xf32, #tpu.memory_space<hbm>>) target(%dma_start3A_53 : memref<128x64xf32, #tpu.memory_space<vmem>>) offsets(%dma_start3A_56 : memref<128xi32, #tpu.memory_space<vmem>>) semaphore(%arg17 : memref<!tpu.dma_semaphore, #tpu.memory_space<semaphore_mem>>)
      %dma_start3A_60 = arith.constant 4 : i32
      %dma_start3A_61 = arith.constant 512 : i32
      %dma_start3A_62 = arith.constant 0 : i32
      %dma_start3A_63 = tpu.memref_slice %arg14[%dma_start3A_61, %dma_start3A_62] : memref<640x64xf32, #tpu.memory_space<vmem>> -> memref<128x64xf32, #tpu.memory_space<vmem>>
      %dma_start3A_64 = arith.constant 0 : i32
      %dma_start3A_65 = tpu.memref_slice %arg11[%scan3A_8, %dma_start3A_60, %dma_start3A_64] : memref<16x5x128xi32, #tpu.memory_space<vmem>> -> memref<1x1x128xi32, #tpu.memory_space<vmem>>
      %dma_start3A_66 = tpu.memref_squeeze %dma_start3A_65 : memref<1x1x128xi32, #tpu.memory_space<vmem>> -> memref<128xi32, #tpu.memory_space<vmem>>
      %dma_start3A_67 = arith.constant 0 : i32
      %dma_start3A_68 = arith.constant 0 : i32
      %dma_start3A_69 = tpu.memref_slice %arg3[%dma_start3A_67, %dma_start3A_68] : memref<100000x64xf32, #tpu.memory_space<hbm>> -> memref<100000x64xf32, #tpu.memory_space<hbm>>
      tpu.enqueue_indirect_dma source(%dma_start3A_69 : memref<100000x64xf32, #tpu.memory_space<hbm>>) target(%dma_start3A_63 : memref<128x64xf32, #tpu.memory_space<vmem>>) offsets(%dma_start3A_66 : memref<128xi32, #tpu.memory_space<vmem>>) semaphore(%arg17 : memref<!tpu.dma_semaphore, #tpu.memory_space<semaphore_mem>>)
      %dma_wait3A = arith.constant 0 : i32
      %dma_wait3A_70 = tpu.memref_slice %arg9[%scan3A_8, %dma_wait3A] : memref<16x32xi32, #tpu.memory_space<vmem>> -> memref<1x32xi32, #tpu.memory_space<vmem>>
      %dma_wait3A_71 = tpu.memref_squeeze %dma_wait3A_70 : memref<1x32xi32, #tpu.memory_space<vmem>> -> memref<32xi32, #tpu.memory_space<vmem>>
      %dma_wait3A_72 = arith.constant 0 : i32
      %dma_wait3A_73 = arith.constant 0 : i32
      %dma_wait3A_74 = tpu.memref_slice %arg2[%dma_wait3A_72, %dma_wait3A_73] : memref<100000x64xf32, #tpu.memory_space<hbm>> -> memref<100000x64xf32, #tpu.memory_space<hbm>>
      tpu.wait_indirect_dma semaphore(%arg17 : memref<!tpu.dma_semaphore, #tpu.memory_space<semaphore_mem>>) src(%dma_wait3A_74 : memref<100000x64xf32, #tpu.memory_space<hbm>>) dst(%arg12 : memref<32x64xf32, #tpu.memory_space<vmem>>)
      %dma_wait3A_75 = arith.constant 0 : i32
      %dma_wait3A_76 = tpu.memref_slice %arg10[%scan3A_8, %dma_wait3A_75] : memref<16x32xi32, #tpu.memory_space<vmem>> -> memref<1x32xi32, #tpu.memory_space<vmem>>
      %dma_wait3A_77 = tpu.memref_squeeze %dma_wait3A_76 : memref<1x32xi32, #tpu.memory_space<vmem>> -> memref<32xi32, #tpu.memory_space<vmem>>
      %dma_wait3A_78 = arith.constant 0 : i32
      %dma_wait3A_79 = arith.constant 0 : i32
      %dma_wait3A_80 = tpu.memref_slice %arg3[%dma_wait3A_78, %dma_wait3A_79] : memref<100000x64xf32, #tpu.memory_space<hbm>> -> memref<100000x64xf32, #tpu.memory_space<hbm>>
      tpu.wait_indirect_dma semaphore(%arg17 : memref<!tpu.dma_semaphore, #tpu.memory_space<semaphore_mem>>) src(%dma_wait3A_80 : memref<100000x64xf32, #tpu.memory_space<hbm>>) dst(%arg13 : memref<32x64xf32, #tpu.memory_space<vmem>>)
      %dma_wait3A_81 = arith.constant 0 : i32
      %dma_wait3A_82 = arith.constant 0 : i32
      %dma_wait3A_83 = arith.constant 0 : i32
      %dma_wait3A_84 = tpu.memref_slice %arg14[%dma_wait3A_82, %dma_wait3A_83] : memref<640x64xf32, #tpu.memory_space<vmem>> -> memref<128x64xf32, #tpu.memory_space<vmem>>
      %dma_wait3A_85 = arith.constant 0 : i32
      %dma_wait3A_86 = tpu.memref_slice %arg11[%scan3A_8, %dma_wait3A_81, %dma_wait3A_85] : memref<16x5x128xi32, #tpu.memory_space<vmem>> -> memref<1x1x128xi32, #tpu.memory_space<vmem>>
      %dma_wait3A_87 = tpu.memref_squeeze %dma_wait3A_86 : memref<1x1x128xi32, #tpu.memory_space<vmem>> -> memref<128xi32, #tpu.memory_space<vmem>>
      %dma_wait3A_88 = arith.constant 0 : i32
      %dma_wait3A_89 = arith.constant 0 : i32
      %dma_wait3A_90 = tpu.memref_slice %arg3[%dma_wait3A_88, %dma_wait3A_89] : memref<100000x64xf32, #tpu.memory_space<hbm>> -> memref<100000x64xf32, #tpu.memory_space<hbm>>
      tpu.wait_indirect_dma semaphore(%arg17 : memref<!tpu.dma_semaphore, #tpu.memory_space<semaphore_mem>>) src(%dma_wait3A_90 : memref<100000x64xf32, #tpu.memory_space<hbm>>) dst(%dma_wait3A_84 : memref<128x64xf32, #tpu.memory_space<vmem>>)
      %dma_wait3A_91 = arith.constant 1 : i32
      %dma_wait3A_92 = arith.constant 128 : i32
      %dma_wait3A_93 = arith.constant 0 : i32
      %dma_wait3A_94 = tpu.memref_slice %arg14[%dma_wait3A_92, %dma_wait3A_93] : memref<640x64xf32, #tpu.memory_space<vmem>> -> memref<128x64xf32, #tpu.memory_space<vmem>>
      %dma_wait3A_95 = arith.constant 0 : i32
      %dma_wait3A_96 = tpu.memref_slice %arg11[%scan3A_8, %dma_wait3A_91, %dma_wait3A_95] : memref<16x5x128xi32, #tpu.memory_space<vmem>> -> memref<1x1x128xi32, #tpu.memory_space<vmem>>
      %dma_wait3A_97 = tpu.memref_squeeze %dma_wait3A_96 : memref<1x1x128xi32, #tpu.memory_space<vmem>> -> memref<128xi32, #tpu.memory_space<vmem>>
      %dma_wait3A_98 = arith.constant 0 : i32
      %dma_wait3A_99 = arith.constant 0 : i32
      %dma_wait3A_100 = tpu.memref_slice %arg3[%dma_wait3A_98, %dma_wait3A_99] : memref<100000x64xf32, #tpu.memory_space<hbm>> -> memref<100000x64xf32, #tpu.memory_space<hbm>>
      tpu.wait_indirect_dma semaphore(%arg17 : memref<!tpu.dma_semaphore, #tpu.memory_space<semaphore_mem>>) src(%dma_wait3A_100 : memref<100000x64xf32, #tpu.memory_space<hbm>>) dst(%dma_wait3A_94 : memref<128x64xf32, #tpu.memory_space<vmem>>)
      %dma_wait3A_101 = arith.constant 2 : i32
      %dma_wait3A_102 = arith.constant 256 : i32
      %dma_wait3A_103 = arith.constant 0 : i32
      %dma_wait3A_104 = tpu.memref_slice %arg14[%dma_wait3A_102, %dma_wait3A_103] : memref<640x64xf32, #tpu.memory_space<vmem>> -> memref<128x64xf32, #tpu.memory_space<vmem>>
      %dma_wait3A_105 = arith.constant 0 : i32
      %dma_wait3A_106 = tpu.memref_slice %arg11[%scan3A_8, %dma_wait3A_101, %dma_wait3A_105] : memref<16x5x128xi32, #tpu.memory_space<vmem>> -> memref<1x1x128xi32, #tpu.memory_space<vmem>>
      %dma_wait3A_107 = tpu.memref_squeeze %dma_wait3A_106 : memref<1x1x128xi32, #tpu.memory_space<vmem>> -> memref<128xi32, #tpu.memory_space<vmem>>
      %dma_wait3A_108 = arith.constant 0 : i32
      %dma_wait3A_109 = arith.constant 0 : i32
      %dma_wait3A_110 = tpu.memref_slice %arg3[%dma_wait3A_108, %dma_wait3A_109] : memref<100000x64xf32, #tpu.memory_space<hbm>> -> memref<100000x64xf32, #tpu.memory_space<hbm>>
      tpu.wait_indirect_dma semaphore(%arg17 : memref<!tpu.dma_semaphore, #tpu.memory_space<semaphore_mem>>) src(%dma_wait3A_110 : memref<100000x64xf32, #tpu.memory_space<hbm>>) dst(%dma_wait3A_104 : memref<128x64xf32, #tpu.memory_space<vmem>>)
      %dma_wait3A_111 = arith.constant 3 : i32
      %dma_wait3A_112 = arith.constant 384 : i32
      %dma_wait3A_113 = arith.constant 0 : i32
      %dma_wait3A_114 = tpu.memref_slice %arg14[%dma_wait3A_112, %dma_wait3A_113] : memref<640x64xf32, #tpu.memory_space<vmem>> -> memref<128x64xf32, #tpu.memory_space<vmem>>
      %dma_wait3A_115 = arith.constant 0 : i32
      %dma_wait3A_116 = tpu.memref_slice %arg11[%scan3A_8, %dma_wait3A_111, %dma_wait3A_115] : memref<16x5x128xi32, #tpu.memory_space<vmem>> -> memref<1x1x128xi32, #tpu.memory_space<vmem>>
      %dma_wait3A_117 = tpu.memref_squeeze %dma_wait3A_116 : memref<1x1x128xi32, #tpu.memory_space<vmem>> -> memref<128xi32, #tpu.memory_space<vmem>>
      %dma_wait3A_118 = arith.constant 0 : i32
      %dma_wait3A_119 = arith.constant 0 : i32
      %dma_wait3A_120 = tpu.memref_slice %arg3[%dma_wait3A_118, %dma_wait3A_119] : memref<100000x64xf32, #tpu.memory_space<hbm>> -> memref<100000x64xf32, #tpu.memory_space<hbm>>
      tpu.wait_indirect_dma semaphore(%arg17 : memref<!tpu.dma_semaphore, #tpu.memory_space<semaphore_mem>>) src(%dma_wait3A_120 : memref<100000x64xf32, #tpu.memory_space<hbm>>) dst(%dma_wait3A_114 : memref<128x64xf32, #tpu.memory_space<vmem>>)
      %dma_wait3A_121 = arith.constant 4 : i32
      %dma_wait3A_122 = arith.constant 512 : i32
      %dma_wait3A_123 = arith.constant 0 : i32
      %dma_wait3A_124 = tpu.memref_slice %arg14[%dma_wait3A_122, %dma_wait3A_123] : memref<640x64xf32, #tpu.memory_space<vmem>> -> memref<128x64xf32, #tpu.memory_space<vmem>>
      %dma_wait3A_125 = arith.constant 0 : i32
      %dma_wait3A_126 = tpu.memref_slice %arg11[%scan3A_8, %dma_wait3A_121, %dma_wait3A_125] : memref<16x5x128xi32, #tpu.memory_space<vmem>> -> memref<1x1x128xi32, #tpu.memory_space<vmem>>
      %dma_wait3A_127 = tpu.memref_squeeze %dma_wait3A_126 : memref<1x1x128xi32, #tpu.memory_space<vmem>> -> memref<128xi32, #tpu.memory_space<vmem>>
      %dma_wait3A_128 = arith.constant 0 : i32
      %dma_wait3A_129 = arith.constant 0 : i32
      %dma_wait3A_130 = tpu.memref_slice %arg3[%dma_wait3A_128, %dma_wait3A_129] : memref<100000x64xf32, #tpu.memory_space<hbm>> -> memref<100000x64xf32, #tpu.memory_space<hbm>>
      tpu.wait_indirect_dma semaphore(%arg17 : memref<!tpu.dma_semaphore, #tpu.memory_space<semaphore_mem>>) src(%dma_wait3A_130 : memref<100000x64xf32, #tpu.memory_space<hbm>>) dst(%dma_wait3A_124 : memref<128x64xf32, #tpu.memory_space<vmem>>)
      %iota3A = tpu.iota {dimensions = array<i32: 0>} : vector<16xi32>
      %add3A_131 = arith.constant 0 : i32
      %add3A_132 = vector.broadcast %add3A_131 : i32 to vector<16xi32>
      %add3A_133 = arith.addi %add3A_132, %iota3A : vector<16xi32>
      %broadcast_in_dim3A = arith.constant 0.000000e+00 : f32
      %broadcast_in_dim3A_134 = vector.broadcast %broadcast_in_dim3A : f32 to vector<16xf32>
      %broadcast_in_dim3A_135 = arith.constant 0.000000e+00 : f32
      %broadcast_in_dim3A_136 = vector.broadcast %broadcast_in_dim3A_135 : f32 to vector<16xf32>
      %broadcast_in_dim3A_137 = arith.constant 0.000000e+00 : f32
      %broadcast_in_dim3A_138 = vector.broadcast %broadcast_in_dim3A_137 : f32 to vector<16xf32>
      %broadcast_in_dim3A_139 = arith.constant 0.000000e+00 : f32
      %broadcast_in_dim3A_140 = vector.broadcast %broadcast_in_dim3A_139 : f32 to vector<16xf32>
      %broadcast_in_dim3A_141 = arith.constant 0.000000e+00 : f32
      %broadcast_in_dim3A_142 = vector.broadcast %broadcast_in_dim3A_141 : f32 to vector<16xf32>
      %broadcast_in_dim3A_143 = arith.constant 0.000000e+00 : f32
      %broadcast_in_dim3A_144 = vector.broadcast %broadcast_in_dim3A_143 : f32 to vector<16xf32>
      %broadcast_in_dim3A_145 = arith.constant 0.000000e+00 : f32
      %broadcast_in_dim3A_146 = vector.broadcast %broadcast_in_dim3A_145 : f32 to vector<16xf32>
      %broadcast_in_dim3A_147 = arith.constant 0.000000e+00 : f32
      %broadcast_in_dim3A_148 = vector.broadcast %broadcast_in_dim3A_147 : f32 to vector<16xf32>
      %broadcast_in_dim3A_149 = arith.constant 0.000000e+00 : f32
      %broadcast_in_dim3A_150 = vector.broadcast %broadcast_in_dim3A_149 : f32 to vector<16xf32>
      %broadcast_in_dim3A_151 = arith.constant 0.000000e+00 : f32
      %broadcast_in_dim3A_152 = vector.broadcast %broadcast_in_dim3A_151 : f32 to vector<16xf32>
      %broadcast_in_dim3A_153 = arith.constant 0.000000e+00 : f32
      %broadcast_in_dim3A_154 = vector.broadcast %broadcast_in_dim3A_153 : f32 to vector<16xf32>
      %broadcast_in_dim3A_155 = arith.constant 0.000000e+00 : f32
      %broadcast_in_dim3A_156 = vector.broadcast %broadcast_in_dim3A_155 : f32 to vector<16xf32>
      %broadcast_in_dim3A_157 = arith.constant 0.000000e+00 : f32
      %broadcast_in_dim3A_158 = vector.broadcast %broadcast_in_dim3A_157 : f32 to vector<16xf32>
      %broadcast_in_dim3A_159 = arith.constant 0.000000e+00 : f32
      %broadcast_in_dim3A_160 = vector.broadcast %broadcast_in_dim3A_159 : f32 to vector<16xf32>
      %broadcast_in_dim3A_161 = arith.constant 0.000000e+00 : f32
      %broadcast_in_dim3A_162 = vector.broadcast %broadcast_in_dim3A_161 : f32 to vector<16xf32>
      %broadcast_in_dim3A_163 = arith.constant 0.000000e+00 : f32
      %broadcast_in_dim3A_164 = vector.broadcast %broadcast_in_dim3A_163 : f32 to vector<16xf32>
      %broadcast_in_dim3A_165 = arith.constant 0.000000e+00 : f32
      %broadcast_in_dim3A_166 = vector.broadcast %broadcast_in_dim3A_165 : f32 to vector<16xf32>
      %broadcast_in_dim3A_167 = arith.constant 0.000000e+00 : f32
      %broadcast_in_dim3A_168 = vector.broadcast %broadcast_in_dim3A_167 : f32 to vector<16xf32>
      %broadcast_in_dim3A_169 = arith.constant 0.000000e+00 : f32
      %broadcast_in_dim3A_170 = vector.broadcast %broadcast_in_dim3A_169 : f32 to vector<16xf32>
      %broadcast_in_dim3A_171 = arith.constant 0.000000e+00 : f32
      %broadcast_in_dim3A_172 = vector.broadcast %broadcast_in_dim3A_171 : f32 to vector<16xf32>
      %broadcast_in_dim3A_173 = arith.constant 0.000000e+00 : f32
      %broadcast_in_dim3A_174 = vector.broadcast %broadcast_in_dim3A_173 : f32 to vector<16xf32>
      %scan3A_175 = arith.constant 0 : i32
      %scan3A_176 = arith.constant 64 : i32
      %scan3A_177 = arith.addi %scan3A_175, %scan3A_176 : i32
      %scan3A_178 = arith.constant 1 : i32
      %scan3A_179:21 = scf.for %scan3A_322 = %scan3A_175 to %scan3A_177 step %scan3A_178 iter_args(%scan3A_323 = %broadcast_in_dim3A_134, %scan3A_324 = %broadcast_in_dim3A_136, %scan3A_325 = %broadcast_in_dim3A_138, %scan3A_326 = %broadcast_in_dim3A_140, %scan3A_327 = %broadcast_in_dim3A_142, %scan3A_328 = %broadcast_in_dim3A_144, %scan3A_329 = %broadcast_in_dim3A_146, %scan3A_330 = %broadcast_in_dim3A_148, %scan3A_331 = %broadcast_in_dim3A_150, %scan3A_332 = %broadcast_in_dim3A_152, %scan3A_333 = %broadcast_in_dim3A_154, %scan3A_334 = %broadcast_in_dim3A_156, %scan3A_335 = %broadcast_in_dim3A_158, %scan3A_336 = %broadcast_in_dim3A_160, %scan3A_337 = %broadcast_in_dim3A_162, %scan3A_338 = %broadcast_in_dim3A_164, %scan3A_339 = %broadcast_in_dim3A_166, %scan3A_340 = %broadcast_in_dim3A_168, %scan3A_341 = %broadcast_in_dim3A_170, %scan3A_342 = %broadcast_in_dim3A_172, %scan3A_343 = %broadcast_in_dim3A_174) -> (vector<16xf32>, vector<16xf32>, vector<16xf32>, vector<16xf32>, vector<16xf32>, vector<16xf32>, vector<16xf32>, vector<16xf32>, vector<16xf32>, vector<16xf32>, vector<16xf32>, vector<16xf32>, vector<16xf32>, vector<16xf32>, vector<16xf32>, vector<16xf32>, vector<16xf32>, vector<16xf32>, vector<16xf32>, vector<16xf32>, vector<16xf32>)  : i32 {
        %broadcast_in_dim3A_344 = vector.broadcast %scan3A_322 : i32 to vector<16xi32>
        %gather3A = tpu.vector_load_idx %arg12[%add3A_133, %broadcast_in_dim3A_344] : memref<32x64xf32, #tpu.memory_space<vmem>>[vector<16xi32>, vector<16xi32>], vector<16xf32>,
        %gather3A_345 = tpu.vector_load_idx %arg13[%add3A_133, %broadcast_in_dim3A_344] : memref<32x64xf32, #tpu.memory_space<vmem>>[vector<16xi32>, vector<16xi32>], vector<16xf32>,
        %mul3A_346 = arith.mulf %gather3A, %gather3A_345 : vector<16xf32>
        %add3A_347 = arith.addf %scan3A_323, %mul3A_346 : vector<16xf32>
        %mul3A_348 = arith.constant 20 : i32
        %mul3A_349 = vector.broadcast %mul3A_348 : i32 to vector<16xi32>
        %mul3A_350 = arith.muli %add3A_133, %mul3A_349 : vector<16xi32>
        %add3A_351 = arith.constant 0 : i32
        %add3A_352 = vector.broadcast %add3A_351 : i32 to vector<16xi32>
        %add3A_353 = arith.addi %mul3A_350, %add3A_352 : vector<16xi32>
        %gather3A_354 = tpu.vector_load_idx %arg14[%add3A_353, %broadcast_in_dim3A_344] : memref<640x64xf32, #tpu.memory_space<vmem>>[vector<16xi32>, vector<16xi32>], vector<16xf32>,
        %mul3A_355 = arith.mulf %gather3A, %gather3A_354 : vector<16xf32>
        %add3A_356 = arith.addf %scan3A_324, %mul3A_355 : vector<16xf32>
        %mul3A_357 = arith.constant 20 : i32
        %mul3A_358 = vector.broadcast %mul3A_357 : i32 to vector<16xi32>
        %mul3A_359 = arith.muli %add3A_133, %mul3A_358 : vector<16xi32>
        %add3A_360 = arith.constant 1 : i32
        %add3A_361 = vector.broadcast %add3A_360 : i32 to vector<16xi32>
        %add3A_362 = arith.addi %mul3A_359, %add3A_361 : vector<16xi32>
        %gather3A_363 = tpu.vector_load_idx %arg14[%add3A_362, %broadcast_in_dim3A_344] : memref<640x64xf32, #tpu.memory_space<vmem>>[vector<16xi32>, vector<16xi32>], vector<16xf32>,
        %mul3A_364 = arith.mulf %gather3A, %gather3A_363 : vector<16xf32>
        %add3A_365 = arith.addf %scan3A_325, %mul3A_364 : vector<16xf32>
        %mul3A_366 = arith.constant 20 : i32
        %mul3A_367 = vector.broadcast %mul3A_366 : i32 to vector<16xi32>
        %mul3A_368 = arith.muli %add3A_133, %mul3A_367 : vector<16xi32>
        %add3A_369 = arith.constant 2 : i32
        %add3A_370 = vector.broadcast %add3A_369 : i32 to vector<16xi32>
        %add3A_371 = arith.addi %mul3A_368, %add3A_370 : vector<16xi32>
        %gather3A_372 = tpu.vector_load_idx %arg14[%add3A_371, %broadcast_in_dim3A_344] : memref<640x64xf32, #tpu.memory_space<vmem>>[vector<16xi32>, vector<16xi32>], vector<16xf32>,
        %mul3A_373 = arith.mulf %gather3A, %gather3A_372 : vector<16xf32>
        %add3A_374 = arith.addf %scan3A_326, %mul3A_373 : vector<16xf32>
        %mul3A_375 = arith.constant 20 : i32
        %mul3A_376 = vector.broadcast %mul3A_375 : i32 to vector<16xi32>
        %mul3A_377 = arith.muli %add3A_133, %mul3A_376 : vector<16xi32>
        %add3A_378 = arith.constant 3 : i32
        %add3A_379 = vector.broadcast %add3A_378 : i32 to vector<16xi32>
        %add3A_380 = arith.addi %mul3A_377, %add3A_379 : vector<16xi32>
        %gather3A_381 = tpu.vector_load_idx %arg14[%add3A_380, %broadcast_in_dim3A_344] : memref<640x64xf32, #tpu.memory_space<vmem>>[vector<16xi32>, vector<16xi32>], vector<16xf32>,
        %mul3A_382 = arith.mulf %gather3A, %gather3A_381 : vector<16xf32>
        %add3A_383 = arith.addf %scan3A_327, %mul3A_382 : vector<16xf32>
        %mul3A_384 = arith.constant 20 : i32
        %mul3A_385 = vector.broadcast %mul3A_384 : i32 to vector<16xi32>
        %mul3A_386 = arith.muli %add3A_133, %mul3A_385 : vector<16xi32>
        %add3A_387 = arith.constant 4 : i32
        %add3A_388 = vector.broadcast %add3A_387 : i32 to vector<16xi32>
        %add3A_389 = arith.addi %mul3A_386, %add3A_388 : vector<16xi32>
        %gather3A_390 = tpu.vector_load_idx %arg14[%add3A_389, %broadcast_in_dim3A_344] : memref<640x64xf32, #tpu.memory_space<vmem>>[vector<16xi32>, vector<16xi32>], vector<16xf32>,
        %mul3A_391 = arith.mulf %gather3A, %gather3A_390 : vector<16xf32>
        %add3A_392 = arith.addf %scan3A_328, %mul3A_391 : vector<16xf32>
        %mul3A_393 = arith.constant 20 : i32
        %mul3A_394 = vector.broadcast %mul3A_393 : i32 to vector<16xi32>
        %mul3A_395 = arith.muli %add3A_133, %mul3A_394 : vector<16xi32>
        %add3A_396 = arith.constant 5 : i32
        %add3A_397 = vector.broadcast %add3A_396 : i32 to vector<16xi32>
        %add3A_398 = arith.addi %mul3A_395, %add3A_397 : vector<16xi32>
        %gather3A_399 = tpu.vector_load_idx %arg14[%add3A_398, %broadcast_in_dim3A_344] : memref<640x64xf32, #tpu.memory_space<vmem>>[vector<16xi32>, vector<16xi32>], vector<16xf32>,
        %mul3A_400 = arith.mulf %gather3A, %gather3A_399 : vector<16xf32>
        %add3A_401 = arith.addf %scan3A_329, %mul3A_400 : vector<16xf32>
        %mul3A_402 = arith.constant 20 : i32
        %mul3A_403 = vector.broadcast %mul3A_402 : i32 to vector<16xi32>
        %mul3A_404 = arith.muli %add3A_133, %mul3A_403 : vector<16xi32>
        %add3A_405 = arith.constant 6 : i32
        %add3A_406 = vector.broadcast %add3A_405 : i32 to vector<16xi32>
        %add3A_407 = arith.addi %mul3A_404, %add3A_406 : vector<16xi32>
        %gather3A_408 = tpu.vector_load_idx %arg14[%add3A_407, %broadcast_in_dim3A_344] : memref<640x64xf32, #tpu.memory_space<vmem>>[vector<16xi32>, vector<16xi32>], vector<16xf32>,
        %mul3A_409 = arith.mulf %gather3A, %gather3A_408 : vector<16xf32>
        %add3A_410 = arith.addf %scan3A_330, %mul3A_409 : vector<16xf32>
        %mul3A_411 = arith.constant 20 : i32
        %mul3A_412 = vector.broadcast %mul3A_411 : i32 to vector<16xi32>
        %mul3A_413 = arith.muli %add3A_133, %mul3A_412 : vector<16xi32>
        %add3A_414 = arith.constant 7 : i32
        %add3A_415 = vector.broadcast %add3A_414 : i32 to vector<16xi32>
        %add3A_416 = arith.addi %mul3A_413, %add3A_415 : vector<16xi32>
        %gather3A_417 = tpu.vector_load_idx %arg14[%add3A_416, %broadcast_in_dim3A_344] : memref<640x64xf32, #tpu.memory_space<vmem>>[vector<16xi32>, vector<16xi32>], vector<16xf32>,
        %mul3A_418 = arith.mulf %gather3A, %gather3A_417 : vector<16xf32>
        %add3A_419 = arith.addf %scan3A_331, %mul3A_418 : vector<16xf32>
        %mul3A_420 = arith.constant 20 : i32
        %mul3A_421 = vector.broadcast %mul3A_420 : i32 to vector<16xi32>
        %mul3A_422 = arith.muli %add3A_133, %mul3A_421 : vector<16xi32>
        %add3A_423 = arith.constant 8 : i32
        %add3A_424 = vector.broadcast %add3A_423 : i32 to vector<16xi32>
        %add3A_425 = arith.addi %mul3A_422, %add3A_424 : vector<16xi32>
        %gather3A_426 = tpu.vector_load_idx %arg14[%add3A_425, %broadcast_in_dim3A_344] : memref<640x64xf32, #tpu.memory_space<vmem>>[vector<16xi32>, vector<16xi32>], vector<16xf32>,
        %mul3A_427 = arith.mulf %gather3A, %gather3A_426 : vector<16xf32>
        %add3A_428 = arith.addf %scan3A_332, %mul3A_427 : vector<16xf32>
        %mul3A_429 = arith.constant 20 : i32
        %mul3A_430 = vector.broadcast %mul3A_429 : i32 to vector<16xi32>
        %mul3A_431 = arith.muli %add3A_133, %mul3A_430 : vector<16xi32>
        %add3A_432 = arith.constant 9 : i32
        %add3A_433 = vector.broadcast %add3A_432 : i32 to vector<16xi32>
        %add3A_434 = arith.addi %mul3A_431, %add3A_433 : vector<16xi32>
        %gather3A_435 = tpu.vector_load_idx %arg14[%add3A_434, %broadcast_in_dim3A_344] : memref<640x64xf32, #tpu.memory_space<vmem>>[vector<16xi32>, vector<16xi32>], vector<16xf32>,
        %mul3A_436 = arith.mulf %gather3A, %gather3A_435 : vector<16xf32>
        %add3A_437 = arith.addf %scan3A_333, %mul3A_436 : vector<16xf32>
        %mul3A_438 = arith.constant 20 : i32
        %mul3A_439 = vector.broadcast %mul3A_438 : i32 to vector<16xi32>
        %mul3A_440 = arith.muli %add3A_133, %mul3A_439 : vector<16xi32>
        %add3A_441 = arith.constant 10 : i32
        %add3A_442 = vector.broadcast %add3A_441 : i32 to vector<16xi32>
        %add3A_443 = arith.addi %mul3A_440, %add3A_442 : vector<16xi32>
        %gather3A_444 = tpu.vector_load_idx %arg14[%add3A_443, %broadcast_in_dim3A_344] : memref<640x64xf32, #tpu.memory_space<vmem>>[vector<16xi32>, vector<16xi32>], vector<16xf32>,
        %mul3A_445 = arith.mulf %gather3A, %gather3A_444 : vector<16xf32>
        %add3A_446 = arith.addf %scan3A_334, %mul3A_445 : vector<16xf32>
        %mul3A_447 = arith.constant 20 : i32
        %mul3A_448 = vector.broadcast %mul3A_447 : i32 to vector<16xi32>
        %mul3A_449 = arith.muli %add3A_133, %mul3A_448 : vector<16xi32>
        %add3A_450 = arith.constant 11 : i32
        %add3A_451 = vector.broadcast %add3A_450 : i32 to vector<16xi32>
        %add3A_452 = arith.addi %mul3A_449, %add3A_451 : vector<16xi32>
        %gather3A_453 = tpu.vector_load_idx %arg14[%add3A_452, %broadcast_in_dim3A_344] : memref<640x64xf32, #tpu.memory_space<vmem>>[vector<16xi32>, vector<16xi32>], vector<16xf32>,
        %mul3A_454 = arith.mulf %gather3A, %gather3A_453 : vector<16xf32>
        %add3A_455 = arith.addf %scan3A_335, %mul3A_454 : vector<16xf32>
        %mul3A_456 = arith.constant 20 : i32
        %mul3A_457 = vector.broadcast %mul3A_456 : i32 to vector<16xi32>
        %mul3A_458 = arith.muli %add3A_133, %mul3A_457 : vector<16xi32>
        %add3A_459 = arith.constant 12 : i32
        %add3A_460 = vector.broadcast %add3A_459 : i32 to vector<16xi32>
        %add3A_461 = arith.addi %mul3A_458, %add3A_460 : vector<16xi32>
        %gather3A_462 = tpu.vector_load_idx %arg14[%add3A_461, %broadcast_in_dim3A_344] : memref<640x64xf32, #tpu.memory_space<vmem>>[vector<16xi32>, vector<16xi32>], vector<16xf32>,
        %mul3A_463 = arith.mulf %gather3A, %gather3A_462 : vector<16xf32>
        %add3A_464 = arith.addf %scan3A_336, %mul3A_463 : vector<16xf32>
        %mul3A_465 = arith.constant 20 : i32
        %mul3A_466 = vector.broadcast %mul3A_465 : i32 to vector<16xi32>
        %mul3A_467 = arith.muli %add3A_133, %mul3A_466 : vector<16xi32>
        %add3A_468 = arith.constant 13 : i32
        %add3A_469 = vector.broadcast %add3A_468 : i32 to vector<16xi32>
        %add3A_470 = arith.addi %mul3A_467, %add3A_469 : vector<16xi32>
        %gather3A_471 = tpu.vector_load_idx %arg14[%add3A_470, %broadcast_in_dim3A_344] : memref<640x64xf32, #tpu.memory_space<vmem>>[vector<16xi32>, vector<16xi32>], vector<16xf32>,
        %mul3A_472 = arith.mulf %gather3A, %gather3A_471 : vector<16xf32>
        %add3A_473 = arith.addf %scan3A_337, %mul3A_472 : vector<16xf32>
        %mul3A_474 = arith.constant 20 : i32
        %mul3A_475 = vector.broadcast %mul3A_474 : i32 to vector<16xi32>
        %mul3A_476 = arith.muli %add3A_133, %mul3A_475 : vector<16xi32>
        %add3A_477 = arith.constant 14 : i32
        %add3A_478 = vector.broadcast %add3A_477 : i32 to vector<16xi32>
        %add3A_479 = arith.addi %mul3A_476, %add3A_478 : vector<16xi32>
        %gather3A_480 = tpu.vector_load_idx %arg14[%add3A_479, %broadcast_in_dim3A_344] : memref<640x64xf32, #tpu.memory_space<vmem>>[vector<16xi32>, vector<16xi32>], vector<16xf32>,
        %mul3A_481 = arith.mulf %gather3A, %gather3A_480 : vector<16xf32>
        %add3A_482 = arith.addf %scan3A_338, %mul3A_481 : vector<16xf32>
        %mul3A_483 = arith.constant 20 : i32
        %mul3A_484 = vector.broadcast %mul3A_483 : i32 to vector<16xi32>
        %mul3A_485 = arith.muli %add3A_133, %mul3A_484 : vector<16xi32>
        %add3A_486 = arith.constant 15 : i32
        %add3A_487 = vector.broadcast %add3A_486 : i32 to vector<16xi32>
        %add3A_488 = arith.addi %mul3A_485, %add3A_487 : vector<16xi32>
        %gather3A_489 = tpu.vector_load_idx %arg14[%add3A_488, %broadcast_in_dim3A_344] : memref<640x64xf32, #tpu.memory_space<vmem>>[vector<16xi32>, vector<16xi32>], vector<16xf32>,
        %mul3A_490 = arith.mulf %gather3A, %gather3A_489 : vector<16xf32>
        %add3A_491 = arith.addf %scan3A_339, %mul3A_490 : vector<16xf32>
        %mul3A_492 = arith.constant 20 : i32
        %mul3A_493 = vector.broadcast %mul3A_492 : i32 to vector<16xi32>
        %mul3A_494 = arith.muli %add3A_133, %mul3A_493 : vector<16xi32>
        %add3A_495 = arith.constant 16 : i32
        %add3A_496 = vector.broadcast %add3A_495 : i32 to vector<16xi32>
        %add3A_497 = arith.addi %mul3A_494, %add3A_496 : vector<16xi32>
        %gather3A_498 = tpu.vector_load_idx %arg14[%add3A_497, %broadcast_in_dim3A_344] : memref<640x64xf32, #tpu.memory_space<vmem>>[vector<16xi32>, vector<16xi32>], vector<16xf32>,
        %mul3A_499 = arith.mulf %gather3A, %gather3A_498 : vector<16xf32>
        %add3A_500 = arith.addf %scan3A_340, %mul3A_499 : vector<16xf32>
        %mul3A_501 = arith.constant 20 : i32
        %mul3A_502 = vector.broadcast %mul3A_501 : i32 to vector<16xi32>
        %mul3A_503 = arith.muli %add3A_133, %mul3A_502 : vector<16xi32>
        %add3A_504 = arith.constant 17 : i32
        %add3A_505 = vector.broadcast %add3A_504 : i32 to vector<16xi32>
        %add3A_506 = arith.addi %mul3A_503, %add3A_505 : vector<16xi32>
        %gather3A_507 = tpu.vector_load_idx %arg14[%add3A_506, %broadcast_in_dim3A_344] : memref<640x64xf32, #tpu.memory_space<vmem>>[vector<16xi32>, vector<16xi32>], vector<16xf32>,
        %mul3A_508 = arith.mulf %gather3A, %gather3A_507 : vector<16xf32>
        %add3A_509 = arith.addf %scan3A_341, %mul3A_508 : vector<16xf32>
        %mul3A_510 = arith.constant 20 : i32
        %mul3A_511 = vector.broadcast %mul3A_510 : i32 to vector<16xi32>
        %mul3A_512 = arith.muli %add3A_133, %mul3A_511 : vector<16xi32>
        %add3A_513 = arith.constant 18 : i32
        %add3A_514 = vector.broadcast %add3A_513 : i32 to vector<16xi32>
        %add3A_515 = arith.addi %mul3A_512, %add3A_514 : vector<16xi32>
        %gather3A_516 = tpu.vector_load_idx %arg14[%add3A_515, %broadcast_in_dim3A_344] : memref<640x64xf32, #tpu.memory_space<vmem>>[vector<16xi32>, vector<16xi32>], vector<16xf32>,
        %mul3A_517 = arith.mulf %gather3A, %gather3A_516 : vector<16xf32>
        %add3A_518 = arith.addf %scan3A_342, %mul3A_517 : vector<16xf32>
        %mul3A_519 = arith.constant 20 : i32
        %mul3A_520 = vector.broadcast %mul3A_519 : i32 to vector<16xi32>
        %mul3A_521 = arith.muli %add3A_133, %mul3A_520 : vector<16xi32>
        %add3A_522 = arith.constant 19 : i32
        %add3A_523 = vector.broadcast %add3A_522 : i32 to vector<16xi32>
        %add3A_524 = arith.addi %mul3A_521, %add3A_523 : vector<16xi32>
        %gather3A_525 = tpu.vector_load_idx %arg14[%add3A_524, %broadcast_in_dim3A_344] : memref<640x64xf32, #tpu.memory_space<vmem>>[vector<16xi32>, vector<16xi32>], vector<16xf32>,
        %mul3A_526 = arith.mulf %gather3A, %gather3A_525 : vector<16xf32>
        %add3A_527 = arith.addf %scan3A_343, %mul3A_526 : vector<16xf32>
        scf.yield %add3A_347, %add3A_356, %add3A_365, %add3A_374, %add3A_383, %add3A_392, %add3A_401, %add3A_410, %add3A_419, %add3A_428, %add3A_437, %add3A_446, %add3A_455, %add3A_464, %add3A_473, %add3A_482, %add3A_491, %add3A_500, %add3A_509, %add3A_518, %add3A_527 : vector<16xf32>, vector<16xf32>, vector<16xf32>, vector<16xf32>, vector<16xf32>, vector<16xf32>, vector<16xf32>, vector<16xf32>, vector<16xf32>, vector<16xf32>, vector<16xf32>, vector<16xf32>, vector<16xf32>, vector<16xf32>, vector<16xf32>, vector<16xf32>, vector<16xf32>, vector<16xf32>, vector<16xf32>, vector<16xf32>, vector<16xf32>
      }
      %scan3A_180 = arith.constant 64 : i32
      %swap3A = arith.constant 0 : index
      %swap3A_181 = tpu.vector_load %arg15[%swap3A] {strides = array<i32>} : memref<32xf32, #tpu.memory_space<vmem>>, vector<16xf32>,
      tpu.vector_store %arg15[%swap3A], %scan3A_179#0 {strides = array<i32>} : memref<32xf32, #tpu.memory_space<vmem>>, vector<16xf32>,
      %broadcast_in_dim3A_182 = arith.constant 0 : i32
      %broadcast_in_dim3A_183 = vector.broadcast %broadcast_in_dim3A_182 : i32 to vector<16xi32>
      tpu.vector_store_idx %arg16[%add3A_133, %broadcast_in_dim3A_183], %scan3A_179#1 : memref<32x20xf32, #tpu.memory_space<vmem>>[vector<16xi32>, vector<16xi32>], vector<16xf32>,
      %broadcast_in_dim3A_184 = arith.constant 1 : i32
      %broadcast_in_dim3A_185 = vector.broadcast %broadcast_in_dim3A_184 : i32 to vector<16xi32>
      tpu.vector_store_idx %arg16[%add3A_133, %broadcast_in_dim3A_185], %scan3A_179#2 : memref<32x20xf32, #tpu.memory_space<vmem>>[vector<16xi32>, vector<16xi32>], vector<16xf32>,
      %broadcast_in_dim3A_186 = arith.constant 2 : i32
      %broadcast_in_dim3A_187 = vector.broadcast %broadcast_in_dim3A_186 : i32 to vector<16xi32>
      tpu.vector_store_idx %arg16[%add3A_133, %broadcast_in_dim3A_187], %scan3A_179#3 : memref<32x20xf32, #tpu.memory_space<vmem>>[vector<16xi32>, vector<16xi32>], vector<16xf32>,
      %broadcast_in_dim3A_188 = arith.constant 3 : i32
      %broadcast_in_dim3A_189 = vector.broadcast %broadcast_in_dim3A_188 : i32 to vector<16xi32>
      tpu.vector_store_idx %arg16[%add3A_133, %broadcast_in_dim3A_189], %scan3A_179#4 : memref<32x20xf32, #tpu.memory_space<vmem>>[vector<16xi32>, vector<16xi32>], vector<16xf32>,
      %broadcast_in_dim3A_190 = arith.constant 4 : i32
      %broadcast_in_dim3A_191 = vector.broadcast %broadcast_in_dim3A_190 : i32 to vector<16xi32>
      tpu.vector_store_idx %arg16[%add3A_133, %broadcast_in_dim3A_191], %scan3A_179#5 : memref<32x20xf32, #tpu.memory_space<vmem>>[vector<16xi32>, vector<16xi32>], vector<16xf32>,
      %broadcast_in_dim3A_192 = arith.constant 5 : i32
      %broadcast_in_dim3A_193 = vector.broadcast %broadcast_in_dim3A_192 : i32 to vector<16xi32>
      tpu.vector_store_idx %arg16[%add3A_133, %broadcast_in_dim3A_193], %scan3A_179#6 : memref<32x20xf32, #tpu.memory_space<vmem>>[vector<16xi32>, vector<16xi32>], vector<16xf32>,
      %broadcast_in_dim3A_194 = arith.constant 6 : i32
      %broadcast_in_dim3A_195 = vector.broadcast %broadcast_in_dim3A_194 : i32 to vector<16xi32>
      tpu.vector_store_idx %arg16[%add3A_133, %broadcast_in_dim3A_195], %scan3A_179#7 : memref<32x20xf32, #tpu.memory_space<vmem>>[vector<16xi32>, vector<16xi32>], vector<16xf32>,
      %broadcast_in_dim3A_196 = arith.constant 7 : i32
      %broadcast_in_dim3A_197 = vector.broadcast %broadcast_in_dim3A_196 : i32 to vector<16xi32>
      tpu.vector_store_idx %arg16[%add3A_133, %broadcast_in_dim3A_197], %scan3A_179#8 : memref<32x20xf32, #tpu.memory_space<vmem>>[vector<16xi32>, vector<16xi32>], vector<16xf32>,
      %broadcast_in_dim3A_198 = arith.constant 8 : i32
      %broadcast_in_dim3A_199 = vector.broadcast %broadcast_in_dim3A_198 : i32 to vector<16xi32>
      tpu.vector_store_idx %arg16[%add3A_133, %broadcast_in_dim3A_199], %scan3A_179#9 : memref<32x20xf32, #tpu.memory_space<vmem>>[vector<16xi32>, vector<16xi32>], vector<16xf32>,
      %broadcast_in_dim3A_200 = arith.constant 9 : i32
      %broadcast_in_dim3A_201 = vector.broadcast %broadcast_in_dim3A_200 : i32 to vector<16xi32>
      tpu.vector_store_idx %arg16[%add3A_133, %broadcast_in_dim3A_201], %scan3A_179#10 : memref<32x20xf32, #tpu.memory_space<vmem>>[vector<16xi32>, vector<16xi32>], vector<16xf32>,
      %broadcast_in_dim3A_202 = arith.constant 10 : i32
      %broadcast_in_dim3A_203 = vector.broadcast %broadcast_in_dim3A_202 : i32 to vector<16xi32>
      tpu.vector_store_idx %arg16[%add3A_133, %broadcast_in_dim3A_203], %scan3A_179#11 : memref<32x20xf32, #tpu.memory_space<vmem>>[vector<16xi32>, vector<16xi32>], vector<16xf32>,
      %broadcast_in_dim3A_204 = arith.constant 11 : i32
      %broadcast_in_dim3A_205 = vector.broadcast %broadcast_in_dim3A_204 : i32 to vector<16xi32>
      tpu.vector_store_idx %arg16[%add3A_133, %broadcast_in_dim3A_205], %scan3A_179#12 : memref<32x20xf32, #tpu.memory_space<vmem>>[vector<16xi32>, vector<16xi32>], vector<16xf32>,
      %broadcast_in_dim3A_206 = arith.constant 12 : i32
      %broadcast_in_dim3A_207 = vector.broadcast %broadcast_in_dim3A_206 : i32 to vector<16xi32>
      tpu.vector_store_idx %arg16[%add3A_133, %broadcast_in_dim3A_207], %scan3A_179#13 : memref<32x20xf32, #tpu.memory_space<vmem>>[vector<16xi32>, vector<16xi32>], vector<16xf32>,
      %broadcast_in_dim3A_208 = arith.constant 13 : i32
      %broadcast_in_dim3A_209 = vector.broadcast %broadcast_in_dim3A_208 : i32 to vector<16xi32>
      tpu.vector_store_idx %arg16[%add3A_133, %broadcast_in_dim3A_209], %scan3A_179#14 : memref<32x20xf32, #tpu.memory_space<vmem>>[vector<16xi32>, vector<16xi32>], vector<16xf32>,
      %broadcast_in_dim3A_210 = arith.constant 14 : i32
      %broadcast_in_dim3A_211 = vector.broadcast %broadcast_in_dim3A_210 : i32 to vector<16xi32>
      tpu.vector_store_idx %arg16[%add3A_133, %broadcast_in_dim3A_211], %scan3A_179#15 : memref<32x20xf32, #tpu.memory_space<vmem>>[vector<16xi32>, vector<16xi32>], vector<16xf32>,
      %broadcast_in_dim3A_212 = arith.constant 15 : i32
      %broadcast_in_dim3A_213 = vector.broadcast %broadcast_in_dim3A_212 : i32 to vector<16xi32>
      tpu.vector_store_idx %arg16[%add3A_133, %broadcast_in_dim3A_213], %scan3A_179#16 : memref<32x20xf32, #tpu.memory_space<vmem>>[vector<16xi32>, vector<16xi32>], vector<16xf32>,
      %broadcast_in_dim3A_214 = arith.constant 16 : i32
      %broadcast_in_dim3A_215 = vector.broadcast %broadcast_in_dim3A_214 : i32 to vector<16xi32>
      tpu.vector_store_idx %arg16[%add3A_133, %broadcast_in_dim3A_215], %scan3A_179#17 : memref<32x20xf32, #tpu.memory_space<vmem>>[vector<16xi32>, vector<16xi32>], vector<16xf32>,
      %broadcast_in_dim3A_216 = arith.constant 17 : i32
      %broadcast_in_dim3A_217 = vector.broadcast %broadcast_in_dim3A_216 : i32 to vector<16xi32>
      tpu.vector_store_idx %arg16[%add3A_133, %broadcast_in_dim3A_217], %scan3A_179#18 : memref<32x20xf32, #tpu.memory_space<vmem>>[vector<16xi32>, vector<16xi32>], vector<16xf32>,
      %broadcast_in_dim3A_218 = arith.constant 18 : i32
      %broadcast_in_dim3A_219 = vector.broadcast %broadcast_in_dim3A_218 : i32 to vector<16xi32>
      tpu.vector_store_idx %arg16[%add3A_133, %broadcast_in_dim3A_219], %scan3A_179#19 : memref<32x20xf32, #tpu.memory_space<vmem>>[vector<16xi32>, vector<16xi32>], vector<16xf32>,
      %broadcast_in_dim3A_220 = arith.constant 19 : i32
      %broadcast_in_dim3A_221 = vector.broadcast %broadcast_in_dim3A_220 : i32 to vector<16xi32>
      tpu.vector_store_idx %arg16[%add3A_133, %broadcast_in_dim3A_221], %scan3A_179#20 : memref<32x20xf32, #tpu.memory_space<vmem>>[vector<16xi32>, vector<16xi32>], vector<16xf32>,
      %iota3A_222 = tpu.iota {dimensions = array<i32: 0>} : vector<16xi32>
      %add3A_223 = arith.constant 16 : i32
      %add3A_224 = vector.broadcast %add3A_223 : i32 to vector<16xi32>
      %add3A_225 = arith.addi %add3A_224, %iota3A_222 : vector<16xi32>
      %broadcast_in_dim3A_226 = arith.constant 0.000000e+00 : f32
      %broadcast_in_dim3A_227 = vector.broadcast %broadcast_in_dim3A_226 : f32 to vector<16xf32>
      %broadcast_in_dim3A_228 = arith.constant 0.000000e+00 : f32
      %broadcast_in_dim3A_229 = vector.broadcast %broadcast_in_dim3A_228 : f32 to vector<16xf32>
      %broadcast_in_dim3A_230 = arith.constant 0.000000e+00 : f32
      %broadcast_in_dim3A_231 = vector.broadcast %broadcast_in_dim3A_230 : f32 to vector<16xf32>
      %broadcast_in_dim3A_232 = arith.constant 0.000000e+00 : f32
      %broadcast_in_dim3A_233 = vector.broadcast %broadcast_in_dim3A_232 : f32 to vector<16xf32>
      %broadcast_in_dim3A_234 = arith.constant 0.000000e+00 : f32
      %broadcast_in_dim3A_235 = vector.broadcast %broadcast_in_dim3A_234 : f32 to vector<16xf32>
      %broadcast_in_dim3A_236 = arith.constant 0.000000e+00 : f32
      %broadcast_in_dim3A_237 = vector.broadcast %broadcast_in_dim3A_236 : f32 to vector<16xf32>
      %broadcast_in_dim3A_238 = arith.constant 0.000000e+00 : f32
      %broadcast_in_dim3A_239 = vector.broadcast %broadcast_in_dim3A_238 : f32 to vector<16xf32>
      %broadcast_in_dim3A_240 = arith.constant 0.000000e+00 : f32
      %broadcast_in_dim3A_241 = vector.broadcast %broadcast_in_dim3A_240 : f32 to vector<16xf32>
      %broadcast_in_dim3A_242 = arith.constant 0.000000e+00 : f32
      %broadcast_in_dim3A_243 = vector.broadcast %broadcast_in_dim3A_242 : f32 to vector<16xf32>
      %broadcast_in_dim3A_244 = arith.constant 0.000000e+00 : f32
      %broadcast_in_dim3A_245 = vector.broadcast %broadcast_in_dim3A_244 : f32 to vector<16xf32>
      %broadcast_in_dim3A_246 = arith.constant 0.000000e+00 : f32
      %broadcast_in_dim3A_247 = vector.broadcast %broadcast_in_dim3A_246 : f32 to vector<16xf32>
      %broadcast_in_dim3A_248 = arith.constant 0.000000e+00 : f32
      %broadcast_in_dim3A_249 = vector.broadcast %broadcast_in_dim3A_248 : f32 to vector<16xf32>
      %broadcast_in_dim3A_250 = arith.constant 0.000000e+00 : f32
      %broadcast_in_dim3A_251 = vector.broadcast %broadcast_in_dim3A_250 : f32 to vector<16xf32>
      %broadcast_in_dim3A_252 = arith.constant 0.000000e+00 : f32
      %broadcast_in_dim3A_253 = vector.broadcast %broadcast_in_dim3A_252 : f32 to vector<16xf32>
      %broadcast_in_dim3A_254 = arith.constant 0.000000e+00 : f32
      %broadcast_in_dim3A_255 = vector.broadcast %broadcast_in_dim3A_254 : f32 to vector<16xf32>
      %broadcast_in_dim3A_256 = arith.constant 0.000000e+00 : f32
      %broadcast_in_dim3A_257 = vector.broadcast %broadcast_in_dim3A_256 : f32 to vector<16xf32>
      %broadcast_in_dim3A_258 = arith.constant 0.000000e+00 : f32
      %broadcast_in_dim3A_259 = vector.broadcast %broadcast_in_dim3A_258 : f32 to vector<16xf32>
      %broadcast_in_dim3A_260 = arith.constant 0.000000e+00 : f32
      %broadcast_in_dim3A_261 = vector.broadcast %broadcast_in_dim3A_260 : f32 to vector<16xf32>
      %broadcast_in_dim3A_262 = arith.constant 0.000000e+00 : f32
      %broadcast_in_dim3A_263 = vector.broadcast %broadcast_in_dim3A_262 : f32 to vector<16xf32>
      %broadcast_in_dim3A_264 = arith.constant 0.000000e+00 : f32
      %broadcast_in_dim3A_265 = vector.broadcast %broadcast_in_dim3A_264 : f32 to vector<16xf32>
      %broadcast_in_dim3A_266 = arith.constant 0.000000e+00 : f32
      %broadcast_in_dim3A_267 = vector.broadcast %broadcast_in_dim3A_266 : f32 to vector<16xf32>
      %scan3A_268 = arith.constant 0 : i32
      %scan3A_269 = arith.constant 64 : i32
      %scan3A_270 = arith.addi %scan3A_268, %scan3A_269 : i32
      %scan3A_271 = arith.constant 1 : i32
      %scan3A_272:21 = scf.for %scan3A_322 = %scan3A_268 to %scan3A_270 step %scan3A_271 iter_args(%scan3A_323 = %broadcast_in_dim3A_227, %scan3A_324 = %broadcast_in_dim3A_229, %scan3A_325 = %broadcast_in_dim3A_231, %scan3A_326 = %broadcast_in_dim3A_233, %scan3A_327 = %broadcast_in_dim3A_235, %scan3A_328 = %broadcast_in_dim3A_237, %scan3A_329 = %broadcast_in_dim3A_239, %scan3A_330 = %broadcast_in_dim3A_241, %scan3A_331 = %broadcast_in_dim3A_243, %scan3A_332 = %broadcast_in_dim3A_245, %scan3A_333 = %broadcast_in_dim3A_247, %scan3A_334 = %broadcast_in_dim3A_249, %scan3A_335 = %broadcast_in_dim3A_251, %scan3A_336 = %broadcast_in_dim3A_253, %scan3A_337 = %broadcast_in_dim3A_255, %scan3A_338 = %broadcast_in_dim3A_257, %scan3A_339 = %broadcast_in_dim3A_259, %scan3A_340 = %broadcast_in_dim3A_261, %scan3A_341 = %broadcast_in_dim3A_263, %scan3A_342 = %broadcast_in_dim3A_265, %scan3A_343 = %broadcast_in_dim3A_267) -> (vector<16xf32>, vector<16xf32>, vector<16xf32>, vector<16xf32>, vector<16xf32>, vector<16xf32>, vector<16xf32>, vector<16xf32>, vector<16xf32>, vector<16xf32>, vector<16xf32>, vector<16xf32>, vector<16xf32>, vector<16xf32>, vector<16xf32>, vector<16xf32>, vector<16xf32>, vector<16xf32>, vector<16xf32>, vector<16xf32>, vector<16xf32>)  : i32 {
        %broadcast_in_dim3A_344 = vector.broadcast %scan3A_322 : i32 to vector<16xi32>
        %gather3A = tpu.vector_load_idx %arg12[%add3A_225, %broadcast_in_dim3A_344] : memref<32x64xf32, #tpu.memory_space<vmem>>[vector<16xi32>, vector<16xi32>], vector<16xf32>,
        %gather3A_345 = tpu.vector_load_idx %arg13[%add3A_225, %broadcast_in_dim3A_344] : memref<32x64xf32, #tpu.memory_space<vmem>>[vector<16xi32>, vector<16xi32>], vector<16xf32>,
        %mul3A_346 = arith.mulf %gather3A, %gather3A_345 : vector<16xf32>
        %add3A_347 = arith.addf %scan3A_323, %mul3A_346 : vector<16xf32>
        %mul3A_348 = arith.constant 20 : i32
        %mul3A_349 = vector.broadcast %mul3A_348 : i32 to vector<16xi32>
        %mul3A_350 = arith.muli %add3A_225, %mul3A_349 : vector<16xi32>
        %add3A_351 = arith.constant 0 : i32
        %add3A_352 = vector.broadcast %add3A_351 : i32 to vector<16xi32>
        %add3A_353 = arith.addi %mul3A_350, %add3A_352 : vector<16xi32>
        %gather3A_354 = tpu.vector_load_idx %arg14[%add3A_353, %broadcast_in_dim3A_344] : memref<640x64xf32, #tpu.memory_space<vmem>>[vector<16xi32>, vector<16xi32>], vector<16xf32>,
        %mul3A_355 = arith.mulf %gather3A, %gather3A_354 : vector<16xf32>
        %add3A_356 = arith.addf %scan3A_324, %mul3A_355 : vector<16xf32>
        %mul3A_357 = arith.constant 20 : i32
        %mul3A_358 = vector.broadcast %mul3A_357 : i32 to vector<16xi32>
        %mul3A_359 = arith.muli %add3A_225, %mul3A_358 : vector<16xi32>
        %add3A_360 = arith.constant 1 : i32
        %add3A_361 = vector.broadcast %add3A_360 : i32 to vector<16xi32>
        %add3A_362 = arith.addi %mul3A_359, %add3A_361 : vector<16xi32>
        %gather3A_363 = tpu.vector_load_idx %arg14[%add3A_362, %broadcast_in_dim3A_344] : memref<640x64xf32, #tpu.memory_space<vmem>>[vector<16xi32>, vector<16xi32>], vector<16xf32>,
        %mul3A_364 = arith.mulf %gather3A, %gather3A_363 : vector<16xf32>
        %add3A_365 = arith.addf %scan3A_325, %mul3A_364 : vector<16xf32>
        %mul3A_366 = arith.constant 20 : i32
        %mul3A_367 = vector.broadcast %mul3A_366 : i32 to vector<16xi32>
        %mul3A_368 = arith.muli %add3A_225, %mul3A_367 : vector<16xi32>
        %add3A_369 = arith.constant 2 : i32
        %add3A_370 = vector.broadcast %add3A_369 : i32 to vector<16xi32>
        %add3A_371 = arith.addi %mul3A_368, %add3A_370 : vector<16xi32>
        %gather3A_372 = tpu.vector_load_idx %arg14[%add3A_371, %broadcast_in_dim3A_344] : memref<640x64xf32, #tpu.memory_space<vmem>>[vector<16xi32>, vector<16xi32>], vector<16xf32>,
        %mul3A_373 = arith.mulf %gather3A, %gather3A_372 : vector<16xf32>
        %add3A_374 = arith.addf %scan3A_326, %mul3A_373 : vector<16xf32>
        %mul3A_375 = arith.constant 20 : i32
        %mul3A_376 = vector.broadcast %mul3A_375 : i32 to vector<16xi32>
        %mul3A_377 = arith.muli %add3A_225, %mul3A_376 : vector<16xi32>
        %add3A_378 = arith.constant 3 : i32
        %add3A_379 = vector.broadcast %add3A_378 : i32 to vector<16xi32>
        %add3A_380 = arith.addi %mul3A_377, %add3A_379 : vector<16xi32>
        %gather3A_381 = tpu.vector_load_idx %arg14[%add3A_380, %broadcast_in_dim3A_344] : memref<640x64xf32, #tpu.memory_space<vmem>>[vector<16xi32>, vector<16xi32>], vector<16xf32>,
        %mul3A_382 = arith.mulf %gather3A, %gather3A_381 : vector<16xf32>
        %add3A_383 = arith.addf %scan3A_327, %mul3A_382 : vector<16xf32>
        %mul3A_384 = arith.constant 20 : i32
        %mul3A_385 = vector.broadcast %mul3A_384 : i32 to vector<16xi32>
        %mul3A_386 = arith.muli %add3A_225, %mul3A_385 : vector<16xi32>
        %add3A_387 = arith.constant 4 : i32
        %add3A_388 = vector.broadcast %add3A_387 : i32 to vector<16xi32>
        %add3A_389 = arith.addi %mul3A_386, %add3A_388 : vector<16xi32>
        %gather3A_390 = tpu.vector_load_idx %arg14[%add3A_389, %broadcast_in_dim3A_344] : memref<640x64xf32, #tpu.memory_space<vmem>>[vector<16xi32>, vector<16xi32>], vector<16xf32>,
        %mul3A_391 = arith.mulf %gather3A, %gather3A_390 : vector<16xf32>
        %add3A_392 = arith.addf %scan3A_328, %mul3A_391 : vector<16xf32>
        %mul3A_393 = arith.constant 20 : i32
        %mul3A_394 = vector.broadcast %mul3A_393 : i32 to vector<16xi32>
        %mul3A_395 = arith.muli %add3A_225, %mul3A_394 : vector<16xi32>
        %add3A_396 = arith.constant 5 : i32
        %add3A_397 = vector.broadcast %add3A_396 : i32 to vector<16xi32>
        %add3A_398 = arith.addi %mul3A_395, %add3A_397 : vector<16xi32>
        %gather3A_399 = tpu.vector_load_idx %arg14[%add3A_398, %broadcast_in_dim3A_344] : memref<640x64xf32, #tpu.memory_space<vmem>>[vector<16xi32>, vector<16xi32>], vector<16xf32>,
        %mul3A_400 = arith.mulf %gather3A, %gather3A_399 : vector<16xf32>
        %add3A_401 = arith.addf %scan3A_329, %mul3A_400 : vector<16xf32>
        %mul3A_402 = arith.constant 20 : i32
        %mul3A_403 = vector.broadcast %mul3A_402 : i32 to vector<16xi32>
        %mul3A_404 = arith.muli %add3A_225, %mul3A_403 : vector<16xi32>
        %add3A_405 = arith.constant 6 : i32
        %add3A_406 = vector.broadcast %add3A_405 : i32 to vector<16xi32>
        %add3A_407 = arith.addi %mul3A_404, %add3A_406 : vector<16xi32>
        %gather3A_408 = tpu.vector_load_idx %arg14[%add3A_407, %broadcast_in_dim3A_344] : memref<640x64xf32, #tpu.memory_space<vmem>>[vector<16xi32>, vector<16xi32>], vector<16xf32>,
        %mul3A_409 = arith.mulf %gather3A, %gather3A_408 : vector<16xf32>
        %add3A_410 = arith.addf %scan3A_330, %mul3A_409 : vector<16xf32>
        %mul3A_411 = arith.constant 20 : i32
        %mul3A_412 = vector.broadcast %mul3A_411 : i32 to vector<16xi32>
        %mul3A_413 = arith.muli %add3A_225, %mul3A_412 : vector<16xi32>
        %add3A_414 = arith.constant 7 : i32
        %add3A_415 = vector.broadcast %add3A_414 : i32 to vector<16xi32>
        %add3A_416 = arith.addi %mul3A_413, %add3A_415 : vector<16xi32>
        %gather3A_417 = tpu.vector_load_idx %arg14[%add3A_416, %broadcast_in_dim3A_344] : memref<640x64xf32, #tpu.memory_space<vmem>>[vector<16xi32>, vector<16xi32>], vector<16xf32>,
        %mul3A_418 = arith.mulf %gather3A, %gather3A_417 : vector<16xf32>
        %add3A_419 = arith.addf %scan3A_331, %mul3A_418 : vector<16xf32>
        %mul3A_420 = arith.constant 20 : i32
        %mul3A_421 = vector.broadcast %mul3A_420 : i32 to vector<16xi32>
        %mul3A_422 = arith.muli %add3A_225, %mul3A_421 : vector<16xi32>
        %add3A_423 = arith.constant 8 : i32
        %add3A_424 = vector.broadcast %add3A_423 : i32 to vector<16xi32>
        %add3A_425 = arith.addi %mul3A_422, %add3A_424 : vector<16xi32>
        %gather3A_426 = tpu.vector_load_idx %arg14[%add3A_425, %broadcast_in_dim3A_344] : memref<640x64xf32, #tpu.memory_space<vmem>>[vector<16xi32>, vector<16xi32>], vector<16xf32>,
        %mul3A_427 = arith.mulf %gather3A, %gather3A_426 : vector<16xf32>
        %add3A_428 = arith.addf %scan3A_332, %mul3A_427 : vector<16xf32>
        %mul3A_429 = arith.constant 20 : i32
        %mul3A_430 = vector.broadcast %mul3A_429 : i32 to vector<16xi32>
        %mul3A_431 = arith.muli %add3A_225, %mul3A_430 : vector<16xi32>
        %add3A_432 = arith.constant 9 : i32
        %add3A_433 = vector.broadcast %add3A_432 : i32 to vector<16xi32>
        %add3A_434 = arith.addi %mul3A_431, %add3A_433 : vector<16xi32>
        %gather3A_435 = tpu.vector_load_idx %arg14[%add3A_434, %broadcast_in_dim3A_344] : memref<640x64xf32, #tpu.memory_space<vmem>>[vector<16xi32>, vector<16xi32>], vector<16xf32>,
        %mul3A_436 = arith.mulf %gather3A, %gather3A_435 : vector<16xf32>
        %add3A_437 = arith.addf %scan3A_333, %mul3A_436 : vector<16xf32>
        %mul3A_438 = arith.constant 20 : i32
        %mul3A_439 = vector.broadcast %mul3A_438 : i32 to vector<16xi32>
        %mul3A_440 = arith.muli %add3A_225, %mul3A_439 : vector<16xi32>
        %add3A_441 = arith.constant 10 : i32
        %add3A_442 = vector.broadcast %add3A_441 : i32 to vector<16xi32>
        %add3A_443 = arith.addi %mul3A_440, %add3A_442 : vector<16xi32>
        %gather3A_444 = tpu.vector_load_idx %arg14[%add3A_443, %broadcast_in_dim3A_344] : memref<640x64xf32, #tpu.memory_space<vmem>>[vector<16xi32>, vector<16xi32>], vector<16xf32>,
        %mul3A_445 = arith.mulf %gather3A, %gather3A_444 : vector<16xf32>
        %add3A_446 = arith.addf %scan3A_334, %mul3A_445 : vector<16xf32>
        %mul3A_447 = arith.constant 20 : i32
        %mul3A_448 = vector.broadcast %mul3A_447 : i32 to vector<16xi32>
        %mul3A_449 = arith.muli %add3A_225, %mul3A_448 : vector<16xi32>
        %add3A_450 = arith.constant 11 : i32
        %add3A_451 = vector.broadcast %add3A_450 : i32 to vector<16xi32>
        %add3A_452 = arith.addi %mul3A_449, %add3A_451 : vector<16xi32>
        %gather3A_453 = tpu.vector_load_idx %arg14[%add3A_452, %broadcast_in_dim3A_344] : memref<640x64xf32, #tpu.memory_space<vmem>>[vector<16xi32>, vector<16xi32>], vector<16xf32>,
        %mul3A_454 = arith.mulf %gather3A, %gather3A_453 : vector<16xf32>
        %add3A_455 = arith.addf %scan3A_335, %mul3A_454 : vector<16xf32>
        %mul3A_456 = arith.constant 20 : i32
        %mul3A_457 = vector.broadcast %mul3A_456 : i32 to vector<16xi32>
        %mul3A_458 = arith.muli %add3A_225, %mul3A_457 : vector<16xi32>
        %add3A_459 = arith.constant 12 : i32
        %add3A_460 = vector.broadcast %add3A_459 : i32 to vector<16xi32>
        %add3A_461 = arith.addi %mul3A_458, %add3A_460 : vector<16xi32>
        %gather3A_462 = tpu.vector_load_idx %arg14[%add3A_461, %broadcast_in_dim3A_344] : memref<640x64xf32, #tpu.memory_space<vmem>>[vector<16xi32>, vector<16xi32>], vector<16xf32>,
        %mul3A_463 = arith.mulf %gather3A, %gather3A_462 : vector<16xf32>
        %add3A_464 = arith.addf %scan3A_336, %mul3A_463 : vector<16xf32>
        %mul3A_465 = arith.constant 20 : i32
        %mul3A_466 = vector.broadcast %mul3A_465 : i32 to vector<16xi32>
        %mul3A_467 = arith.muli %add3A_225, %mul3A_466 : vector<16xi32>
        %add3A_468 = arith.constant 13 : i32
        %add3A_469 = vector.broadcast %add3A_468 : i32 to vector<16xi32>
        %add3A_470 = arith.addi %mul3A_467, %add3A_469 : vector<16xi32>
        %gather3A_471 = tpu.vector_load_idx %arg14[%add3A_470, %broadcast_in_dim3A_344] : memref<640x64xf32, #tpu.memory_space<vmem>>[vector<16xi32>, vector<16xi32>], vector<16xf32>,
        %mul3A_472 = arith.mulf %gather3A, %gather3A_471 : vector<16xf32>
        %add3A_473 = arith.addf %scan3A_337, %mul3A_472 : vector<16xf32>
        %mul3A_474 = arith.constant 20 : i32
        %mul3A_475 = vector.broadcast %mul3A_474 : i32 to vector<16xi32>
        %mul3A_476 = arith.muli %add3A_225, %mul3A_475 : vector<16xi32>
        %add3A_477 = arith.constant 14 : i32
        %add3A_478 = vector.broadcast %add3A_477 : i32 to vector<16xi32>
        %add3A_479 = arith.addi %mul3A_476, %add3A_478 : vector<16xi32>
        %gather3A_480 = tpu.vector_load_idx %arg14[%add3A_479, %broadcast_in_dim3A_344] : memref<640x64xf32, #tpu.memory_space<vmem>>[vector<16xi32>, vector<16xi32>], vector<16xf32>,
        %mul3A_481 = arith.mulf %gather3A, %gather3A_480 : vector<16xf32>
        %add3A_482 = arith.addf %scan3A_338, %mul3A_481 : vector<16xf32>
        %mul3A_483 = arith.constant 20 : i32
        %mul3A_484 = vector.broadcast %mul3A_483 : i32 to vector<16xi32>
        %mul3A_485 = arith.muli %add3A_225, %mul3A_484 : vector<16xi32>
        %add3A_486 = arith.constant 15 : i32
        %add3A_487 = vector.broadcast %add3A_486 : i32 to vector<16xi32>
        %add3A_488 = arith.addi %mul3A_485, %add3A_487 : vector<16xi32>
        %gather3A_489 = tpu.vector_load_idx %arg14[%add3A_488, %broadcast_in_dim3A_344] : memref<640x64xf32, #tpu.memory_space<vmem>>[vector<16xi32>, vector<16xi32>], vector<16xf32>,
        %mul3A_490 = arith.mulf %gather3A, %gather3A_489 : vector<16xf32>
        %add3A_491 = arith.addf %scan3A_339, %mul3A_490 : vector<16xf32>
        %mul3A_492 = arith.constant 20 : i32
        %mul3A_493 = vector.broadcast %mul3A_492 : i32 to vector<16xi32>
        %mul3A_494 = arith.muli %add3A_225, %mul3A_493 : vector<16xi32>
        %add3A_495 = arith.constant 16 : i32
        %add3A_496 = vector.broadcast %add3A_495 : i32 to vector<16xi32>
        %add3A_497 = arith.addi %mul3A_494, %add3A_496 : vector<16xi32>
        %gather3A_498 = tpu.vector_load_idx %arg14[%add3A_497, %broadcast_in_dim3A_344] : memref<640x64xf32, #tpu.memory_space<vmem>>[vector<16xi32>, vector<16xi32>], vector<16xf32>,
        %mul3A_499 = arith.mulf %gather3A, %gather3A_498 : vector<16xf32>
        %add3A_500 = arith.addf %scan3A_340, %mul3A_499 : vector<16xf32>
        %mul3A_501 = arith.constant 20 : i32
        %mul3A_502 = vector.broadcast %mul3A_501 : i32 to vector<16xi32>
        %mul3A_503 = arith.muli %add3A_225, %mul3A_502 : vector<16xi32>
        %add3A_504 = arith.constant 17 : i32
        %add3A_505 = vector.broadcast %add3A_504 : i32 to vector<16xi32>
        %add3A_506 = arith.addi %mul3A_503, %add3A_505 : vector<16xi32>
        %gather3A_507 = tpu.vector_load_idx %arg14[%add3A_506, %broadcast_in_dim3A_344] : memref<640x64xf32, #tpu.memory_space<vmem>>[vector<16xi32>, vector<16xi32>], vector<16xf32>,
        %mul3A_508 = arith.mulf %gather3A, %gather3A_507 : vector<16xf32>
        %add3A_509 = arith.addf %scan3A_341, %mul3A_508 : vector<16xf32>
        %mul3A_510 = arith.constant 20 : i32
        %mul3A_511 = vector.broadcast %mul3A_510 : i32 to vector<16xi32>
        %mul3A_512 = arith.muli %add3A_225, %mul3A_511 : vector<16xi32>
        %add3A_513 = arith.constant 18 : i32
        %add3A_514 = vector.broadcast %add3A_513 : i32 to vector<16xi32>
        %add3A_515 = arith.addi %mul3A_512, %add3A_514 : vector<16xi32>
        %gather3A_516 = tpu.vector_load_idx %arg14[%add3A_515, %broadcast_in_dim3A_344] : memref<640x64xf32, #tpu.memory_space<vmem>>[vector<16xi32>, vector<16xi32>], vector<16xf32>,
        %mul3A_517 = arith.mulf %gather3A, %gather3A_516 : vector<16xf32>
        %add3A_518 = arith.addf %scan3A_342, %mul3A_517 : vector<16xf32>
        %mul3A_519 = arith.constant 20 : i32
        %mul3A_520 = vector.broadcast %mul3A_519 : i32 to vector<16xi32>
        %mul3A_521 = arith.muli %add3A_225, %mul3A_520 : vector<16xi32>
        %add3A_522 = arith.constant 19 : i32
        %add3A_523 = vector.broadcast %add3A_522 : i32 to vector<16xi32>
        %add3A_524 = arith.addi %mul3A_521, %add3A_523 : vector<16xi32>
        %gather3A_525 = tpu.vector_load_idx %arg14[%add3A_524, %broadcast_in_dim3A_344] : memref<640x64xf32, #tpu.memory_space<vmem>>[vector<16xi32>, vector<16xi32>], vector<16xf32>,
        %mul3A_526 = arith.mulf %gather3A, %gather3A_525 : vector<16xf32>
        %add3A_527 = arith.addf %scan3A_343, %mul3A_526 : vector<16xf32>
        scf.yield %add3A_347, %add3A_356, %add3A_365, %add3A_374, %add3A_383, %add3A_392, %add3A_401, %add3A_410, %add3A_419, %add3A_428, %add3A_437, %add3A_446, %add3A_455, %add3A_464, %add3A_473, %add3A_482, %add3A_491, %add3A_500, %add3A_509, %add3A_518, %add3A_527 : vector<16xf32>, vector<16xf32>, vector<16xf32>, vector<16xf32>, vector<16xf32>, vector<16xf32>, vector<16xf32>, vector<16xf32>, vector<16xf32>, vector<16xf32>, vector<16xf32>, vector<16xf32>, vector<16xf32>, vector<16xf32>, vector<16xf32>, vector<16xf32>, vector<16xf32>, vector<16xf32>, vector<16xf32>, vector<16xf32>, vector<16xf32>
      }
      %scan3A_273 = arith.constant 64 : i32
      %swap3A_274 = arith.constant 16 : index
      %swap3A_275 = tpu.vector_load %arg15[%swap3A_274] {strides = array<i32>} : memref<32xf32, #tpu.memory_space<vmem>>, vector<16xf32>,
      tpu.vector_store %arg15[%swap3A_274], %scan3A_272#0 {strides = array<i32>} : memref<32xf32, #tpu.memory_space<vmem>>, vector<16xf32>,
      %broadcast_in_dim3A_276 = arith.constant 0 : i32
      %broadcast_in_dim3A_277 = vector.broadcast %broadcast_in_dim3A_276 : i32 to vector<16xi32>
      tpu.vector_store_idx %arg16[%add3A_225, %broadcast_in_dim3A_277], %scan3A_272#1 : memref<32x20xf32, #tpu.memory_space<vmem>>[vector<16xi32>, vector<16xi32>], vector<16xf32>,
      %broadcast_in_dim3A_278 = arith.constant 1 : i32
      %broadcast_in_dim3A_279 = vector.broadcast %broadcast_in_dim3A_278 : i32 to vector<16xi32>
      tpu.vector_store_idx %arg16[%add3A_225, %broadcast_in_dim3A_279], %scan3A_272#2 : memref<32x20xf32, #tpu.memory_space<vmem>>[vector<16xi32>, vector<16xi32>], vector<16xf32>,
      %broadcast_in_dim3A_280 = arith.constant 2 : i32
      %broadcast_in_dim3A_281 = vector.broadcast %broadcast_in_dim3A_280 : i32 to vector<16xi32>
      tpu.vector_store_idx %arg16[%add3A_225, %broadcast_in_dim3A_281], %scan3A_272#3 : memref<32x20xf32, #tpu.memory_space<vmem>>[vector<16xi32>, vector<16xi32>], vector<16xf32>,
      %broadcast_in_dim3A_282 = arith.constant 3 : i32
      %broadcast_in_dim3A_283 = vector.broadcast %broadcast_in_dim3A_282 : i32 to vector<16xi32>
      tpu.vector_store_idx %arg16[%add3A_225, %broadcast_in_dim3A_283], %scan3A_272#4 : memref<32x20xf32, #tpu.memory_space<vmem>>[vector<16xi32>, vector<16xi32>], vector<16xf32>,
      %broadcast_in_dim3A_284 = arith.constant 4 : i32
      %broadcast_in_dim3A_285 = vector.broadcast %broadcast_in_dim3A_284 : i32 to vector<16xi32>
      tpu.vector_store_idx %arg16[%add3A_225, %broadcast_in_dim3A_285], %scan3A_272#5 : memref<32x20xf32, #tpu.memory_space<vmem>>[vector<16xi32>, vector<16xi32>], vector<16xf32>,
      %broadcast_in_dim3A_286 = arith.constant 5 : i32
      %broadcast_in_dim3A_287 = vector.broadcast %broadcast_in_dim3A_286 : i32 to vector<16xi32>
      tpu.vector_store_idx %arg16[%add3A_225, %broadcast_in_dim3A_287], %scan3A_272#6 : memref<32x20xf32, #tpu.memory_space<vmem>>[vector<16xi32>, vector<16xi32>], vector<16xf32>,
      %broadcast_in_dim3A_288 = arith.constant 6 : i32
      %broadcast_in_dim3A_289 = vector.broadcast %broadcast_in_dim3A_288 : i32 to vector<16xi32>
      tpu.vector_store_idx %arg16[%add3A_225, %broadcast_in_dim3A_289], %scan3A_272#7 : memref<32x20xf32, #tpu.memory_space<vmem>>[vector<16xi32>, vector<16xi32>], vector<16xf32>,
      %broadcast_in_dim3A_290 = arith.constant 7 : i32
      %broadcast_in_dim3A_291 = vector.broadcast %broadcast_in_dim3A_290 : i32 to vector<16xi32>
      tpu.vector_store_idx %arg16[%add3A_225, %broadcast_in_dim3A_291], %scan3A_272#8 : memref<32x20xf32, #tpu.memory_space<vmem>>[vector<16xi32>, vector<16xi32>], vector<16xf32>,
      %broadcast_in_dim3A_292 = arith.constant 8 : i32
      %broadcast_in_dim3A_293 = vector.broadcast %broadcast_in_dim3A_292 : i32 to vector<16xi32>
      tpu.vector_store_idx %arg16[%add3A_225, %broadcast_in_dim3A_293], %scan3A_272#9 : memref<32x20xf32, #tpu.memory_space<vmem>>[vector<16xi32>, vector<16xi32>], vector<16xf32>,
      %broadcast_in_dim3A_294 = arith.constant 9 : i32
      %broadcast_in_dim3A_295 = vector.broadcast %broadcast_in_dim3A_294 : i32 to vector<16xi32>
      tpu.vector_store_idx %arg16[%add3A_225, %broadcast_in_dim3A_295], %scan3A_272#10 : memref<32x20xf32, #tpu.memory_space<vmem>>[vector<16xi32>, vector<16xi32>], vector<16xf32>,
      %broadcast_in_dim3A_296 = arith.constant 10 : i32
      %broadcast_in_dim3A_297 = vector.broadcast %broadcast_in_dim3A_296 : i32 to vector<16xi32>
      tpu.vector_store_idx %arg16[%add3A_225, %broadcast_in_dim3A_297], %scan3A_272#11 : memref<32x20xf32, #tpu.memory_space<vmem>>[vector<16xi32>, vector<16xi32>], vector<16xf32>,
      %broadcast_in_dim3A_298 = arith.constant 11 : i32
      %broadcast_in_dim3A_299 = vector.broadcast %broadcast_in_dim3A_298 : i32 to vector<16xi32>
      tpu.vector_store_idx %arg16[%add3A_225, %broadcast_in_dim3A_299], %scan3A_272#12 : memref<32x20xf32, #tpu.memory_space<vmem>>[vector<16xi32>, vector<16xi32>], vector<16xf32>,
      %broadcast_in_dim3A_300 = arith.constant 12 : i32
      %broadcast_in_dim3A_301 = vector.broadcast %broadcast_in_dim3A_300 : i32 to vector<16xi32>
      tpu.vector_store_idx %arg16[%add3A_225, %broadcast_in_dim3A_301], %scan3A_272#13 : memref<32x20xf32, #tpu.memory_space<vmem>>[vector<16xi32>, vector<16xi32>], vector<16xf32>,
      %broadcast_in_dim3A_302 = arith.constant 13 : i32
      %broadcast_in_dim3A_303 = vector.broadcast %broadcast_in_dim3A_302 : i32 to vector<16xi32>
      tpu.vector_store_idx %arg16[%add3A_225, %broadcast_in_dim3A_303], %scan3A_272#14 : memref<32x20xf32, #tpu.memory_space<vmem>>[vector<16xi32>, vector<16xi32>], vector<16xf32>,
      %broadcast_in_dim3A_304 = arith.constant 14 : i32
      %broadcast_in_dim3A_305 = vector.broadcast %broadcast_in_dim3A_304 : i32 to vector<16xi32>
      tpu.vector_store_idx %arg16[%add3A_225, %broadcast_in_dim3A_305], %scan3A_272#15 : memref<32x20xf32, #tpu.memory_space<vmem>>[vector<16xi32>, vector<16xi32>], vector<16xf32>,
      %broadcast_in_dim3A_306 = arith.constant 15 : i32
      %broadcast_in_dim3A_307 = vector.broadcast %broadcast_in_dim3A_306 : i32 to vector<16xi32>
      tpu.vector_store_idx %arg16[%add3A_225, %broadcast_in_dim3A_307], %scan3A_272#16 : memref<32x20xf32, #tpu.memory_space<vmem>>[vector<16xi32>, vector<16xi32>], vector<16xf32>,
      %broadcast_in_dim3A_308 = arith.constant 16 : i32
      %broadcast_in_dim3A_309 = vector.broadcast %broadcast_in_dim3A_308 : i32 to vector<16xi32>
      tpu.vector_store_idx %arg16[%add3A_225, %broadcast_in_dim3A_309], %scan3A_272#17 : memref<32x20xf32, #tpu.memory_space<vmem>>[vector<16xi32>, vector<16xi32>], vector<16xf32>,
      %broadcast_in_dim3A_310 = arith.constant 17 : i32
      %broadcast_in_dim3A_311 = vector.broadcast %broadcast_in_dim3A_310 : i32 to vector<16xi32>
      tpu.vector_store_idx %arg16[%add3A_225, %broadcast_in_dim3A_311], %scan3A_272#18 : memref<32x20xf32, #tpu.memory_space<vmem>>[vector<16xi32>, vector<16xi32>], vector<16xf32>,
      %broadcast_in_dim3A_312 = arith.constant 18 : i32
      %broadcast_in_dim3A_313 = vector.broadcast %broadcast_in_dim3A_312 : i32 to vector<16xi32>
      tpu.vector_store_idx %arg16[%add3A_225, %broadcast_in_dim3A_313], %scan3A_272#19 : memref<32x20xf32, #tpu.memory_space<vmem>>[vector<16xi32>, vector<16xi32>], vector<16xf32>,
      %broadcast_in_dim3A_314 = arith.constant 19 : i32
      %broadcast_in_dim3A_315 = vector.broadcast %broadcast_in_dim3A_314 : i32 to vector<16xi32>
      tpu.vector_store_idx %arg16[%add3A_225, %broadcast_in_dim3A_315], %scan3A_272#20 : memref<32x20xf32, #tpu.memory_space<vmem>>[vector<16xi32>, vector<16xi32>], vector<16xf32>,
      %mul3A_316 = arith.constant 32 : i32
      %mul3A_317 = arith.muli %scan3A_8, %mul3A_316 : i32
      %add3A_318 = arith.addi %mul3A_2, %mul3A_317 : i32
      "tpu.region"() ({
        %run_scoped3A = tpu.sem_alloc : memref<!tpu.dma_semaphore, #tpu.memory_space<semaphore_mem>>
        %dma_start3A_322 = tpu.memref_slice %arg7[%add3A_318] : memref<16384xf32, #tpu.memory_space<hbm>> -> memref<32xf32, #tpu.memory_space<hbm>>
        %dma_start3A_323 = tpu.memref_slice %arg7[%add3A_318] : memref<16384xf32, #tpu.memory_space<hbm>> -> memref<32xf32, #tpu.memory_space<hbm>>
        tpu.enqueue_dma source(%arg15 : memref<32xf32, #tpu.memory_space<vmem>>) target(%dma_start3A_323 : memref<32xf32, #tpu.memory_space<hbm>>) target_semaphore(%run_scoped3A : memref<!tpu.dma_semaphore, #tpu.memory_space<semaphore_mem>>)
        %dma_wait3A_324 = tpu.memref_slice %arg7[%add3A_318] : memref<16384xf32, #tpu.memory_space<hbm>> -> memref<32xf32, #tpu.memory_space<hbm>>
        %dma_wait3A_325 = tpu.memref_slice %arg7[%add3A_318] : memref<16384xf32, #tpu.memory_space<hbm>> -> memref<32xf32, #tpu.memory_space<hbm>>
        tpu.wait_dma2 semaphore(%run_scoped3A : memref<!tpu.dma_semaphore, #tpu.memory_space<semaphore_mem>>) src(%arg15 : memref<32xf32, #tpu.memory_space<vmem>>) dst(%dma_wait3A_325 : memref<32xf32, #tpu.memory_space<hbm>>)
        tpu.yield
      }) : () -> ()
      %mul3A_319 = arith.constant 32 : i32
      %mul3A_320 = arith.muli %scan3A_8, %mul3A_319 : i32
      %add3A_321 = arith.addi %mul3A_2, %mul3A_320 : i32
      "tpu.region"() ({
        %run_scoped3A = tpu.sem_alloc : memref<!tpu.dma_semaphore, #tpu.memory_space<semaphore_mem>>
        %dma_start3A_322 = arith.constant 0 : i32
        %dma_start3A_323 = tpu.memref_slice %arg8[%add3A_321, %dma_start3A_322] : memref<16384x20xf32, #tpu.memory_space<hbm>> -> memref<32x20xf32, #tpu.memory_space<hbm>>
        %dma_start3A_324 = arith.constant 0 : i32
        %dma_start3A_325 = tpu.memref_slice %arg8[%add3A_321, %dma_start3A_324] : memref<16384x20xf32, #tpu.memory_space<hbm>> -> memref<32x20xf32, #tpu.memory_space<hbm>>
        tpu.enqueue_dma source(%arg16 : memref<32x20xf32, #tpu.memory_space<vmem>>) target(%dma_start3A_325 : memref<32x20xf32, #tpu.memory_space<hbm>>) target_semaphore(%run_scoped3A : memref<!tpu.dma_semaphore, #tpu.memory_space<semaphore_mem>>)
        %dma_wait3A_326 = arith.constant 0 : i32
        %dma_wait3A_327 = tpu.memref_slice %arg8[%add3A_321, %dma_wait3A_326] : memref<16384x20xf32, #tpu.memory_space<hbm>> -> memref<32x20xf32, #tpu.memory_space<hbm>>
        %dma_wait3A_328 = arith.constant 0 : i32
        %dma_wait3A_329 = tpu.memref_slice %arg8[%add3A_321, %dma_wait3A_328] : memref<16384x20xf32, #tpu.memory_space<hbm>> -> memref<32x20xf32, #tpu.memory_space<hbm>>
        tpu.wait_dma2 semaphore(%run_scoped3A : memref<!tpu.dma_semaphore, #tpu.memory_space<semaphore_mem>>) src(%arg16 : memref<32x20xf32, #tpu.memory_space<vmem>>) dst(%dma_wait3A_329 : memref<32x20xf32, #tpu.memory_space<hbm>>)
        tpu.yield
      }) : () -> ()
    }
    %scan3A_7 = arith.constant 16 : i32
    return
  }
}

module attributes {stable_mosaic.version = 14 : i64} {
  func.func @_loss_body(%arg0: memref<128x128xf32, #tpu.memory_space<vmem>>, %arg1: memref<2560x128xf32, #tpu.memory_space<vmem>>, %arg2: memref<1x1xf32, #tpu.memory_space<vmem>>) attributes {dimension_semantics = [], scalar_prefetch = 0 : i64, scratch_operands = 0 : i64, tpu.core_type = #tpu.core_type<tc>} {
    %get3A = arith.constant 0 : index
    %get3A_0 = arith.constant 0 : index
    %get3A_1 = vector.load %arg0[%get3A, %get3A_0] : memref<128x128xf32, #tpu.memory_space<vmem>>, vector<128x128xf32>
    %min3A = arith.constant 0.000000e+00 : f32
    %min3A_2 = vector.broadcast %min3A : f32 to vector<128x128xf32>
    %min3A_3 = arith.minimumf %get3A_1, %min3A_2 : vector<128x128xf32>
    %abs3A = math.absf %get3A_1 : vector<128x128xf32>
    %neg3A = arith.constant 0.000000e+00 : f32
    %neg3A_4 = vector.broadcast %neg3A : f32 to vector<128x128xf32>
    %neg3A_5 = arith.subf %neg3A_4, %abs3A : vector<128x128xf32>
    %exp3A = math.exp %neg3A_5 : vector<128x128xf32>
    %log1p3A = math.log1p %exp3A : vector<128x128xf32>
    %sub3A = arith.subf %min3A_3, %log1p3A : vector<128x128xf32>
    %reduce_sum3A = vector.shape_cast %sub3A : vector<128x128xf32> to vector<1x128x128xf32>
    %reduce_sum3A_6 = arith.constant dense<0.000000e+00> : vector<1xf32>
    %reduce_sum3A_7 = vector.multi_reduction <add>, %reduce_sum3A, %reduce_sum3A_6 [1, 2] : vector<1x128x128xf32> to vector<1xf32>
    %reduce_sum3A_8 = vector.shape_cast %reduce_sum3A_7 : vector<1xf32> to vector<1x1x1xf32>
    %reduce_sum3A_9 = vector.extract %reduce_sum3A_8[0, 0, 0] : f32 from vector<1x1x1xf32>
    %get3A_10 = arith.constant 0 : index
    %get3A_11 = arith.constant 0 : index
    %get3A_12 = vector.load %arg1[%get3A_10, %get3A_11] : memref<2560x128xf32, #tpu.memory_space<vmem>>, vector<2560x128xf32>
    %neg3A_13 = arith.constant 0.000000e+00 : f32
    %neg3A_14 = vector.broadcast %neg3A_13 : f32 to vector<2560x128xf32>
    %neg3A_15 = arith.subf %neg3A_14, %get3A_12 : vector<2560x128xf32>
    %min3A_16 = arith.constant 0.000000e+00 : f32
    %min3A_17 = vector.broadcast %min3A_16 : f32 to vector<2560x128xf32>
    %min3A_18 = arith.minimumf %neg3A_15, %min3A_17 : vector<2560x128xf32>
    %abs3A_19 = math.absf %neg3A_15 : vector<2560x128xf32>
    %neg3A_20 = arith.constant 0.000000e+00 : f32
    %neg3A_21 = vector.broadcast %neg3A_20 : f32 to vector<2560x128xf32>
    %neg3A_22 = arith.subf %neg3A_21, %abs3A_19 : vector<2560x128xf32>
    %exp3A_23 = math.exp %neg3A_22 : vector<2560x128xf32>
    %log1p3A_24 = math.log1p %exp3A_23 : vector<2560x128xf32>
    %sub3A_25 = arith.subf %min3A_18, %log1p3A_24 : vector<2560x128xf32>
    %reduce_sum3A_26 = vector.shape_cast %sub3A_25 : vector<2560x128xf32> to vector<1x2560x128xf32>
    %reduce_sum3A_27 = arith.constant dense<0.000000e+00> : vector<1xf32>
    %reduce_sum3A_28 = vector.multi_reduction <add>, %reduce_sum3A_26, %reduce_sum3A_27 [1, 2] : vector<1x2560x128xf32> to vector<1xf32>
    %reduce_sum3A_29 = vector.shape_cast %reduce_sum3A_28 : vector<1xf32> to vector<1x1x1xf32>
    %reduce_sum3A_30 = vector.extract %reduce_sum3A_29[0, 0, 0] : f32 from vector<1x1x1xf32>
    %add3A = arith.addf %reduce_sum3A_9, %reduce_sum3A_30 : f32
    %neg3A_31 = arith.constant 0.000000e+00 : f32
    %neg3A_32 = arith.subf %neg3A_31, %add3A : f32
    %div3A = arith.constant 3.276800e+04 : f32
    %div3A_33 = arith.divf %neg3A_32, %div3A : f32
    %broadcast_in_dim3A = vector.broadcast %div3A_33 : f32 to vector<1x1xf32>
    %swap3A = arith.constant 0 : index
    %swap3A_34 = arith.constant 0 : index
    %swap3A_35 = vector.load %arg2[%swap3A, %swap3A_34] : memref<1x1xf32, #tpu.memory_space<vmem>>, vector<1x1xf32>
    tpu.vector_store %arg2[%swap3A, %swap3A_34], %broadcast_in_dim3A {strides = array<i32>} : memref<1x1xf32, #tpu.memory_space<vmem>>, vector<1x1xf32>,
    return
  }
}

</mosaic_0001>

<sc_bundles>
// kernel: kernel.4.cloned.1.call-start
scs
__scs_entry_jumppad:
0x0: {  	(pc) =	sbr.rel $0x88, $3  }
0x1: {  	(tag) =	ssettag $0x0;
	lr =	simm.s32 $0x1  }
0x2: {  	[smem:$0x3F9C] =	sst lr;
	_ =	strace $0xD0000000  }
0x3: {  	_ = 	snop  }
0x4: {  	_ = 	snop  }
0x5: {  	_ = 	snop  }
0x6: {  	_ = 	snop  }
0x7: {  	_ = 	snop  }
__scs_overlays_trampoline_lowered:
0x8: {  	[smem:$0x3FAB] =	sst s0  }
0x9: {  	[smem:$0x3FAC] =	sst s1  }
0xa: {  	[smem:$0x3FAD] =	sst s2  }
0xb: {  	[smem:$0x3FAE] =	sst s3  }
0xc: {  	[smem:$0x3FAF] =	sst s4  }
0xd: {  	[smem:$0x3FB0] =	sst s5  }
0xe: {  	[smem:$0x3FB1] =	sst s6  }
0xf: {  	[smem:$0x3FB2] =	sst s7  }
0x10: {  	[smem:$0x3FB3] =	sst s8  }
0x11: {  	[smem:$0x3FB4] =	sst s9;
	s0 =	simm.s32 @!p0 $0x0  }
0x12: {  	s1 =	sld [smem:$0x3F9A];
	s0 =	simm.s32 @p0 $0x1  }
0x13: {  	[smem:$0x3FB5] =	sst s0;
	s0 =	simm.s32 @!p1 $0x0  }
0x14: {  	s2 =	sld [smem:$0x3F99];
	s0 =	simm.s32 @p1 $0x1  }
0x15: {  	[smem:$0x3FB6] =	sst s0;
	s0 =	simm.s32 @!p2 $0x0  }
0x16: {  	s3 =	sld [smem:$0x3FDB];
	s0 =	simm.s32 @p2 $0x1  }
0x17: {  	s4 =	simm.s32 $0x1BF5;
	[smem:$0x3FB8] =	sst s0  }
0x18: {  	s0 =	sld [smem:$0x3F9B];
	_ =	swait.ge [sflag:s4], $0x0  }
0x19: {  	s7 =	sld [smem:$0x3F9C]  }
0x1a: {  	s8 =	sadd.s32 $0xFFFFE003, lr  }
0x1b: {  	s9 =	sadd.s32 $0xFFFFFEF7, lr;
	s5 =	simm.s32 $0xFFFFFFFF;
	p2 =	slt.u32 s8, $0xFFFFF086  }
0x1c: {  	p1 =	slt.u32 s9, $0xF7A;
	s5 =	simm.s32 @!p2 $0x0  }
0x1d: {  	s5 =	simm.s32 @p1 $0x1;
	p0 =	seq.s32 s7, s2  }
0x1e: {  	s7 =	smul.u32 @!p0 $0xF7A, s2;
	p2 =	seq.s32 @!p0 s5, $0x0  }
0x1f: {  	s9 =	smul.u32 $0xF7A, s1;
	s8 =	simm.s32 @!p0 $0x1BF5;
	p2 =	por !p2, p0  }
0x20: {  	[sflag:s8] =	ssyncset.s32 @!p0 $0xFFFFF086;
	s6 =	sadd.s32 @!p0 s3, s7;
	s7 =	simm.s32 @!p0 $0x108  }
0x21: {  	s3 =	sadd.s32 s3, s9;
	s6 =	sadd.s32 @!p0 $0x88, s6;
	s7 =	simm.s32 @p2 $0x1082  }
0x22: {  	[simem:s7], [sflag:s8] =	dma.local @!p0 [hbm:s6], $0xF7A  }
0x23: {  	s9 =	sor.u32 $0xD0000000, s2;
	s6 =	simm.s32 $0x108;
	_ =	swait.ge @!p0 [sflag:s8], $0x0  }
0x24: {  	s3 =	sadd.s32 $0x88, s3;
	s6 =	simm.s32 @!p1 $0x1082;
	[sflag:s4] =	ssyncset.s32 $0xFFFFF086  }
0x25: {  	[simem:s6], [sflag:s4] =	dma.local [hbm:s3], $0xF7A  }
0x26: {  	[smem:$0x3F9C] =	sst s1;
	(tag) =	ssettag s2;
	_ =	strace s9  }
0x27: {  	s1 =	sld [smem:$0x3FAC]  }
0x28: {  	s2 =	sld [smem:$0x3FAD]  }
0x29: {  	s4 =	sld [smem:$0x3FAF]  }
0x2a: {  	p0 =	seq.s32 s5, $0x0;
	s5 =	sld [smem:$0x3FB0]  }
0x2b: {  	s6 =	sld [smem:$0x3FB1]  }
0x2c: {  	s7 =	sld [smem:$0x3FB2]  }
0x2d: {  	s3 =	simm.s32 $0x108;
	s8 =	sld [smem:$0x3FB3]  }
0x2e: {  	s3 =	simm.s32 @!p0 $0x1082;
	s9 =	sld [smem:$0x3FB4]  }
0x2f: {  	lr =	sadd.s32 s0, s3;
	s0 =	sld [smem:$0x3FAB]  }
0x30: {  	s3 =	sld [smem:$0x3FAE]  }
0x31: {  	[smem:$0x3FB7] =	sst s10  }
0x32: {  	s10 =	sld [smem:$0x3FB5];
	_ =	sdelay $0x3  }
0x33: {  	p0 =	seq.s32 s10, $0x1;
	s10 =	sld [smem:$0x3FB7];
	_ =	sdelay $0x3  }
0x34: {  	[smem:$0x3FB7] =	sst s10  }
0x35: {  	s10 =	sld [smem:$0x3FB6];
	_ =	sdelay $0x3  }
0x36: {  	p1 =	seq.s32 s10, $0x1;
	s10 =	sld [smem:$0x3FB7];
	_ =	sdelay $0x3  }
0x37: {  	[smem:$0x3FB7] =	sst s10  }
0x38: {  	s10 =	sld [smem:$0x3FB8]  }
0x39: {  	_ = 	snop;
	(pc) =	sbr.ind lr, $3  }
0x3a: {  	_ = 	snop  }
0x3b: {  	_ = 	snop  }
0x3c: {  	p2 =	seq.s32 s10, $0x1;
	s10 =	sld [smem:$0x3FB7]  }
0x3d: {  	_ =	shalt  }
0x3e: {  	_ =	shalt  }
0x3f: {  	_ =	shalt  }
0x40: {  	_ =	shalt  }
0x41: {  	_ =	shalt  }
0x42: {  	_ =	shalt  }
0x43: {  	_ =	shalt  }
0x44: {  	_ =	shalt  }
0x45: {  	_ =	shalt  }
0x46: {  	_ =	shalt  }
0x47: {  	_ =	shalt  }
0x48: {  	_ =	shalt  }
0x49: {  	_ =	shalt  }
0x4a: {  	_ =	shalt  }
0x4b: {  	_ =	shalt  }
0x4c: {  	_ =	shalt  }
0x4d: {  	_ =	shalt  }
0x4e: {  	_ =	shalt  }
0x4f: {  	_ =	shalt  }
0x50: {  	_ =	shalt  }
0x51: {  	_ =	shalt  }
0x52: {  	_ =	shalt  }
0x53: {  	_ =	shalt  }
0x54: {  	_ =	shalt  }
0x55: {  	_ =	shalt  }
0x56: {  	_ =	shalt  }
0x57: {  	_ =	shalt  }
0x58: {  	_ =	shalt  }
0x59: {  	_ =	shalt  }
0x5a: {  	_ =	shalt  }
0x5b: {  	_ =	shalt  }
0x5c: {  	_ =	shalt  }
0x5d: {  	_ =	shalt  }
0x5e: {  	_ =	shalt  }
0x5f: {  	_ =	shalt  }
0x60: {  	_ =	shalt  }
0x61: {  	_ =	shalt  }
0x62: {  	_ =	shalt  }
0x63: {  	_ =	shalt  }
0x64: {  	_ =	shalt  }
0x65: {  	_ =	shalt  }
0x66: {  	_ =	shalt  }
0x67: {  	_ =	shalt  }
0x68: {  	_ =	shalt  }
0x69: {  	_ =	shalt  }
0x6a: {  	_ =	shalt  }
0x6b: {  	_ =	shalt  }
0x6c: {  	_ =	shalt  }
0x6d: {  	_ =	shalt  }
0x6e: {  	_ =	shalt  }
0x6f: {  	_ =	shalt  }
0x70: {  	_ =	shalt  }
0x71: {  	_ =	shalt  }
0x72: {  	_ =	shalt  }
0x73: {  	_ =	shalt  }
0x74: {  	_ =	shalt  }
0x75: {  	_ =	shalt  }
0x76: {  	_ =	shalt  }
0x77: {  	_ =	shalt  }
0x78: {  	_ =	shalt  }
0x79: {  	_ =	shalt  }
0x7a: {  	_ =	shalt  }
0x7b: {  	_ =	shalt  }
0x7c: {  	_ =	shalt  }
0x7d: {  	_ =	shalt  }
0x7e: {  	_ =	shalt  }
0x7f: {  	_ =	shalt  }
0x80: {  	_ =	shalt  }
0x81: {  	_ =	shalt  }
0x82: {  	_ =	shalt  }
0x83: {  	_ =	shalt  }
0x84: {  	_ =	shalt  }
0x85: {  	_ =	shalt  }
0x86: {  	_ =	shalt  }
0x87: {  	_ =	shalt  }
.Lfunc_end0:
.L_simem_size_0:
called_computation_lowered:
.L_overlay_start_0:
0x88: {  	s2 =	sld [smem:$0x3FD9]  }
0x89: {  	s3 =	sld [smem:$0x3FFE];
	_ =	sdelay $0x1  }
0x8a: {  	s1 =	srdreg.scid  }
0x8b: {  	s0 =	sand.u32 $0x1, s1  }
0x8c: {  	s17 =	sshll.u32 s0, $0xA;
	s2 =	sadd.s32 s3, s2  }
0x8d: {  	s2 =	sadd.s32 s2, s17  }
0x8e: {  	[smem:$0x3FC3] =	sst s2  }
0x8f: {  	_ = 	snop  }
0x90: {  	s2 =	sld [smem:$0x3FC7]  }
0x91: {  	s18 =	sld [smem:$0x3FC6];
	(tm) =	ssettm $0x1  }
0x92: {  	s4 =	sld [smem:$0x3FFB];
	_ =	sdelay $0x3  }
0x93: {  	_ =	strace s4  }
0x94: {  	s4 =	sld [smem:$0x3FFC];
	_ =	sdelay $0x3  }
0x95: {  	_ =	strace s4  }
0x96: {  	s4 =	sld [smem:$0x3FFD];
	_ =	sdelay $0x3  }
0x97: {  	_ =	strace s4  }
0x98: {  	_ =	strace $0x8FFFFFFF  }
0x99: {  	s19 =	sld [smem:$0x3FDB];
	_ =	sdelay $0x1  }
0x9a: {  	s5 =	simm.s32 $_scs_section_size  }
0x9b: {  	s6 =	simm.s32 $_size__tile_overlayer_lowered;
	s7 =	simm.s32 $_tile_overlayer_lowered  }
0x9c: {  	s22 =	simm.s32 $0x1BFF;
	s21 =	sshll.u32 s7, $0x1;
	s4 =	sadd.s32 s5, s19  }
0x9d: {  	s8 =	simm.s32 $0x0;
	s20 =	sshll.u32 s6, $0x1;
	s6 =	sadd.s32 s21, s4  }
0x9e: {  	[timem:s8], [sflag:s22] =	dma.local [hbm:s6], s20  }
0x9f: {  	_ =	swait.ge [sflag:s22], s20  }
0xa0: {  	s5 =	ssub.s32 $0x0, s20;
	[sflag:s22] =	ssyncset.done $0x0  }
0xa1: {  	[sflag:s22] =	ssyncadd.s32 s5;
	_ =	sdelay $0x1  }
0xa2: {  	s23 =	simm.s32 $0x1B8B  }
0xa3: {  	_ =	swait.ge [sflag:s23], $0x1  }
0xa4: {  	[sflag:s23] =	ssyncset.done $0x0  }
0xa5: {  	s25 =	simm.s32 $0x1B8E;
	s24 =	sld [smem:$0x3FFE];
	[sflag:s23] =	ssyncadd.s32 $0xFFFFFFFF  }
0xa6: {  	s26 =	simm.s32 $execute0_lowered;
	[smem:$0x3FD2] =	sst s25  }
0xa7: {  	s6 =	sshll.u32 s26, $0x1;
	_ =	strace $0x80000046;
	[dreg:$0x1] =	wrdreg $0xFFFFFFFF  }
0xa8: {  	s28 =	simm.s32 $_size_execute0_lowered;
	s4 =	sadd.s32 s4, s6;
	[dreg:$0x0] =	wrdreg $0x0  }
0xa9: {  	s6 =	sshll.u32 s28, $0x1;
	[dreg:$0x2] =	wrdreg s4  }
0xaa: {  	[dreg:$0x3] =	wrdreg s6  }
0xab: {  	[dreg:$0x4] =	wrdreg $0xC0  }
0xac: {  	_ =	task [dreg:s8], $0x5FFFF  }
0xad: {  	[dreg:$0x1] =	wrdreg $0xFFFFFFFF  }
0xae: {  	[dreg:$0x0] =	wrdreg $0x60  }
0xaf: {  	[dreg:$0x2] =	wrdreg s24  }
0xb0: {  	[dreg:$0x3] =	wrdreg s2  }
0xb1: {  	[dreg:$0x4] =	wrdreg s18  }
0xb2: {  	[dreg:$0x5] =	wrdreg $0x9  }
0xb3: {  	_ =	task.clear_ibuf [dreg:s8], $0x6FFFF;
	_ =	strace $0x90000046  }
0xb4: {  	s29 =	simm.s32 $0x9;
	_ =	strace $0x80000048  }
0xb5: {  	_ =	swait.ge [sflag:s29], $0x1  }
0xb6: {  	[sflag:s29] =	ssyncadd.s32 $0xFFFFFFFF  }
0xb7: {  	_ =	strace $0x90000048  }
0xb8: {  	_ =	sfence  }
0xb9: {  	s30 =	sld [smem:$0x0];
	_ =	sdelay $0x2  }
0xba: {  	s31 =	sshll.u32 s1, $0xD;
	s1 =	sshrl.u32 s1, $0x2  }
0xbb: {  	s3 =	sand.u32 $0x4000, s31;
	s1 =	sadd.s32 s1, s30  }
0xbc: {  	s0 =	sor.u32 s3, s0;
	s1 =	sshll.u32 s1, $0x11  }
0xbd: {  	s0 =	sor.u32 s1, s0  }
0xbe: {  	s0 =	sadd.s32 $0x8F2B, s0  }
0xbf: {  	[sflag:s0] =	ssyncadd.remote.s32 $0x1  }
0xc0: {  	_ =	sfence.sel $0xFFFF  }
0xc1: {  	[dreg:$0x0] =	wrdreg $0xFFFFFFFF;
	(pc) =	sbr.abs _section_cstart, $3  }
0xc2: {  	[dreg:$0x1] =	wrdreg $0xFFFFFFFF  }
0xc3: {  	_ =	task.clear_ibuf [dreg:s8], $0x2FFFF;
	_ =	strace $0x9FFFFFFF  }
0xc4: {  	(tm) =	ssettm $0x7FFFFFFF  }
0xc5: {  	_ =	shalt  }
tec
execute0_lowered:
.L_overlay_start_1:
0x0: {  	(tag) =	ssettag $0x1  }
0x1: {  	v0 =	vlaneseq.u32  }
0x2: {  	v33 =	vmul.u32 $0x500, v0;
	v31 =	vmul.u32 $0x40, v0;
	v0 =	vmul.u32 $0x18, v0;
	_ =	sdelay $0x1  }
0x3: {  	v1 =	vor.u32 $0x1, v0  }
0x4: {  	s6 =	rddreg [dreg:$0x0];
	v62 =	vor.u32 $0x2, v0;
	[tilespmem:$0x1FCA0] =	vst v1  }
0x5: {  	s8 =	rddreg [dreg:$0x1];
	s2 =	simm.s32 $0x0;
	v63 =	vor.u32 $0x3, v0;
	[tilespmem:$0x1FCB0] =	vst v62  }
0x6: {  	[smem:$0x7FF] =	sst s2;
	v4 =	vor.u32 $0x4, v0;
	[tilespmem:$0x1FCC0] =	vst v63  }
0x7: {  	s9 =	rddreg [dreg:$0x2];
	v5 =	vor.u32 $0x5, v0;
	_ =	strace $0x80000047;
	[tilespmem:$0x1FCD0] =	vst v4  }
0x8: {  	v6 =	vor.u32 $0x6, v0;
	[tilespmem:$0x1FCE0] =	vst v5  }
0x9: {  	v7 =	vor.u32 $0x7, v0;
	[tilespmem:$0x1FCF0] =	vst v6  }
0xa: {  	v8 =	vadd.s32 $0x8, v0;
	[tilespmem:$0x1FD00] =	vst v7  }
0xb: {  	v9 =	vadd.s32 $0x9, v0;
	[tilespmem:$0x1FD10] =	vst v8  }
0xc: {  	v10 =	vadd.s32 $0xA, v0;
	[tilespmem:$0x1FD20] =	vst v9  }
0xd: {  	v11 =	vadd.s32 $0xB, v0;
	[tilespmem:$0x1FD30] =	vst v10  }
0xe: {  	v24 =	vadd.s32 $0xC, v0;
	[tilespmem:$0x1FD40] =	vst v11  }
0xf: {  	v25 =	vadd.s32 $0xD, v0;
	[tilespmem:$0x1FD50] =	vst v24  }
0x10: {  	v26 =	vadd.s32 $0xE, v0;
	[tilespmem:$0x1FD60] =	vst v25  }
0x11: {  	v27 =	vadd.s32 $0xF, v0;
	[tilespmem:$0x1FD70] =	vst v26  }
0x12: {  	v32 =	vadd.s32 $0x10, v0;
	[tilespmem:$0x1FD80] =	vst v27  }
0x13: {  	v34 =	vadd.s32 $0x11, v0;
	[tilespmem:$0x1FD90] =	vst v32  }
0x14: {  	v35 =	vadd.s32 $0x12, v0;
	[tilespmem:$0x1FDA0] =	vst v34  }
0x15: {  	[tilespmem:$0x1FDB0] =	vst v35  }
0x16: {  	v36 =	vadd.s32 $0x5040, v33;
	[tilespmem:$0x1FDC0] =	vst v0  }
0x17: {  	v37 =	vadd.s32 $0x5080, v33;
	[tilespmem:$0x1FDE0] =	vst v36  }
0x18: {  	v38 =	vadd.s32 $0x50C0, v33;
	[tilespmem:$0x1FDF0] =	vst v37  }
0x19: {  	v39 =	vadd.s32 $0x5100, v33;
	[tilespmem:$0x1FE00] =	vst v38  }
0x1a: {  	v40 =	vadd.s32 $0x5140, v33;
	[tilespmem:$0x1FE10] =	vst v39  }
0x1b: {  	v54 =	vadd.s32 $0x5180, v33;
	[tilespmem:$0x1FE20] =	vst v40  }
0x1c: {  	v55 =	vadd.s32 $0x51C0, v33;
	[tilespmem:$0x1FE30] =	vst v54  }
0x1d: {  	v56 =	vadd.s32 $0x5200, v33;
	[tilespmem:$0x1FE40] =	vst v55  }
0x1e: {  	v57 =	vadd.s32 $0x5240, v33;
	[tilespmem:$0x1FE50] =	vst v56  }
0x1f: {  	v58 =	vadd.s32 $0x5280, v33;
	[tilespmem:$0x1FE60] =	vst v57  }
0x20: {  	v59 =	vadd.s32 $0x52C0, v33;
	[tilespmem:$0x1FE70] =	vst v58  }
0x21: {  	v60 =	vadd.s32 $0x5300, v33;
	[tilespmem:$0x1FE80] =	vst v59  }
0x22: {  	v61 =	vadd.s32 $0x5340, v33;
	[tilespmem:$0x1FE90] =	vst v60  }
0x23: {  	v62 =	vadd.s32 $0x5380, v33;
	[tilespmem:$0x1FEA0] =	vst v61  }
0x24: {  	v63 =	vadd.s32 $0x53C0, v33;
	[tilespmem:$0x1FEB0] =	vst v62  }
0x25: {  	[tilespmem:$0x1FEC0] =	vst v63  }
0x26: {  	[tilespmem:$0x1FED0] =	vst v33  }
0x27: {  	v17 =	vor.u32 $0x40, v33;
	[tilespmem:$0x1FEE0] =	vst v31  }
0x28: {  	v19 =	vor.u32 $0x80, v33;
	[tilespmem:$0x1FEF0] =	vst v17  }
0x29: {  	v21 =	vor.u32 $0xC0, v33;
	[tilespmem:$0x1FF00] =	vst v19  }
0x2a: {  	v41 =	vadd.s32 $0x100, v33;
	[tilespmem:$0x1FF10] =	vst v21  }
0x2b: {  	v42 =	vadd.s32 $0x140, v33;
	[tilespmem:$0x1FF20] =	vst v41  }
0x2c: {  	v43 =	vadd.s32 $0x180, v33;
	[tilespmem:$0x1FF30] =	vst v42  }
0x2d: {  	v44 =	vadd.s32 $0x1C0, v33;
	[tilespmem:$0x1FF40] =	vst v43  }
0x2e: {  	s1 =	srdreg.scid;
	s13 =	simm.s32 $0x200;
	s14 =	simm.s32 $0x400;
	v50 =	vadd.s32 $0x300, v33;
	[tilespmem:$0x1FF50] =	vst v44  }
0x2f: {  	s15 =	simm.s32 $0x20;
	s16 =	simm.s32 $0x2C00;
	s17 =	simm.s32 $0x3400;
	v14 =	vadd.s32 $0x340, v33;
	[tilespmem:$0x1FF60] =	vst v50  }
0x30: {  	s18 =	simm.s32 $0x80;
	s19 =	simm.s32 $0x3C00;
	s20 =	simm.s32 $0x5C00;
	v15 =	vadd.s32 $0x380, v33;
	[tilespmem:$0x1FF70] =	vst v14  }
0x31: {  	s21 =	simm.s32 $0x7C00;
	s22 =	simm.s32 $0x9C00;
	s23 =	simm.s32 $0xBC00;
	v16 =	vadd.s32 $0x3C0, v33;
	[tilespmem:$0x1FF80] =	vst v15  }
0x32: {  	s24 =	simm.s32 $0x1;
	s25 =	simm.s32 $0xDC20;
	s26 =	simm.s32 $0xDC00;
	v20 =	vadd.s32 $0x400, v33;
	[tilespmem:$0x1FF90] =	vst v16  }
0x33: {  	s28 =	simm.s32 $0x0;
	s5 =	sand.u32 $0x1, s1;
	s1 =	stileid.u32;
	v47 =	vadd.s32 $0x440, v33;
	[tilespmem:$0x1FFA0] =	vst v20  }
0x34: {  	s4 =	sadd.s32 $0x189200, s6;
	s3 =	sshll.u32 s5, $0x4;
	s11 =	ssub.s32 $0x2, s5;
	v51 =	vadd.s32 $0x480, v33;
	[tilespmem:$0x1FFB0] =	vst v47  }
0x35: {  	s5 =	sadd.s32 $0x18800, s6;
	v30 =	vadd.s32 $0x4C0, v33;
	s7 =	sor.u32 s1, s3;
	s12 =	sshrl.u32 s11, $0x1;
	[tilespmem:$0x1FFC0] =	vst v51  }
0x36: {  	s3 =	sadd.s32 $0x24C800, s6;
	v52 =	vor.u32 $0x400, v31;
	s10 =	smul.u32 $0x500, s7;
	s11 =	ssub.s32 s11, s12;
	[tilespmem:$0x1FFD0] =	vst v30  }
0x37: {  	v53 =	vadd.s32 $0x5000, v33;
	s31 =	sshll.u32 s7, $0x6;
	s7 =	sshll.u32 s7, $0x9;
	s12 =	simm.s32 $0x2;
	[tilespmem:$0x1FFE0] =	vst v52  }
0x38: {  	v45 =	vadd.s32 $0x200, v33;
	s8 =	sadd.s32 s8, s31;
	s9 =	sadd.s32 s9, s31;
	v0 =	vadd.s32 $0x13, v0;
	[tilespmem:$0x1FFF0] =	vst v53;
	s10 =	sadd.s32 s10, s6  }
0x39: {  	v46 =	vadd.s32 $0x240, v33;
	v48 =	vadd.s32 $0x280, v33;
	v49 =	vadd.s32 $0x2C0, v33;
	s11 =	smax.u32 s11, $0x1;
	s6 =	sadd.s32 $0xC800, s6;
	[tilespmem:$0x1FDD0] =	vst v0;
	s10 =	sadd.s32 $0x2800, s10  }
.LBB2_1:
0x3a: {  	[tilespmem:s2], [sflag:$0x2] =	stream.linear.gather [hbm4b:s8+s2], $0x200, $0x38;
	[tilespmem:$0xDF20] =	vst v63  }
0x3b: {  	_ =	swait.ge [sflag:s12], $0x200  }
0x3c: {  	[sflag:s12] =	ssyncset.done $0x0  }
0x3d: {  	[sflag:s12] =	ssyncadd.s32 $0xFFFFFE00  }
0x3e: {  	[tilespmem:s13], [sflag:$0x2] =	stream.linear.gather [hbm4b:s9+s2], $0x200, $0x38;
	[tilespmem:$0xDF20] =	vst v63  }
0x3f: {  	_ =	swait.ge [sflag:s12], $0x200  }
0x40: {  	[sflag:s12] =	ssyncset.done $0x0  }
0x41: {  	[sflag:s12] =	ssyncadd.s32 $0xFFFFFE00  }
0x42: {  	[tilespmem:s14], [sflag:$0x2] =	stream.linear.gather [hbm4b:s10+s2], $0x2800, $0x38;
	[tilespmem:$0xDF20] =	vst v63  }
0x43: {  	_ =	swait.ge [sflag:s12], $0x2800  }
0x44: {  	[sflag:s12] =	ssyncset.done $0x0  }
0x45: {  	s29 =	simm.s32 $0x0;
	[sflag:s12] =	ssyncadd.s32 $0xFFFFD800  }
.LBB2_2:
0x46: {  	s30 =	sshll.u32 s29, $0x5;
	s0 =	smul.u32 $0xA00, s29  }
0x47: {  	[tilespmem:s16], [sflag:$0x1] =	stream.indirect.gather [hbm4b:s3+s15], $0x40, s30, s15, $0xb8;
	[tilespmem:$0xDF20] =	vst v63  }
0x48: {  	s31 =	sadd.s32 $0x200, s30;
	s0 =	sshra.s32 s0, $0x2  }
0x49: {  	[tilespmem:s17], [sflag:$0x1] =	stream.indirect.gather [hbm4b:s4+s15], $0x40, s31, s15, $0xb8;
	[tilespmem:$0xDF20] =	vst v63  }
0x4a: {  	s31 =	sadd.s32 $0x400, s0  }
0x4b: {  	[tilespmem:s19], [sflag:$0x1] =	stream.indirect.gather [hbm4b:s4+s18], $0x40, s31, s18, $0xb8;
	[tilespmem:$0xDF20] =	vst v63  }
0x4c: {  	s31 =	sadd.s32 $0x480, s0  }
0x4d: {  	[tilespmem:s20], [sflag:$0x1] =	stream.indirect.gather [hbm4b:s4+s18], $0x40, s31, s18, $0xb8;
	[tilespmem:$0xDF20] =	vst v63  }
0x4e: {  	s31 =	sadd.s32 $0x500, s0  }
0x4f: {  	[tilespmem:s21], [sflag:$0x1] =	stream.indirect.gather [hbm4b:s4+s18], $0x40, s31, s18, $0xb8;
	[tilespmem:$0xDF20] =	vst v63  }
0x50: {  	s31 =	sadd.s32 $0x580, s0  }
0x51: {  	[tilespmem:s22], [sflag:$0x1] =	stream.indirect.gather [hbm4b:s4+s18], $0x40, s31, s18, $0xb8;
	[tilespmem:$0xDF20] =	vst v63  }
0x52: {  	s0 =	sadd.s32 $0x600, s0  }
0x53: {  	[tilespmem:s23], [sflag:$0x1] =	stream.indirect.gather [hbm4b:s4+s18], $0x40, s0, s18, $0xb8;
	[tilespmem:$0xDF20] =	vst v63  }
0x54: {  	_ =	swait.ge [sflag:s24], $0x800  }
0x55: {  	[sflag:s24] =	ssyncset.done $0x0  }
0x56: {  	[sflag:s24] =	ssyncadd.s32 $0xFFFFF800  }
0x57: {  	_ =	swait.ge [sflag:s24], $0x800  }
0x58: {  	[sflag:s24] =	ssyncset.done $0x0  }
0x59: {  	[sflag:s24] =	ssyncadd.s32 $0xFFFFF800  }
0x5a: {  	_ =	swait.ge [sflag:s24], $0x2000  }
0x5b: {  	[sflag:s24] =	ssyncset.done $0x0  }
0x5c: {  	[sflag:s24] =	ssyncadd.s32 $0xFFFFE000  }
0x5d: {  	_ =	swait.ge [sflag:s24], $0x2000  }
0x5e: {  	[sflag:s24] =	ssyncset.done $0x0  }
0x5f: {  	s0 =	simm.s32 $0x0;
	[sflag:s24] =	ssyncadd.s32 $0xFFFFE000  }
0x60: {  	v0 =	vmov s0;
	_ =	swait.ge [sflag:s24], $0x2000  }
0x61: {  	v0 =	vand.u32 $0x3F, v0;
	[sflag:s24] =	ssyncset.done $0x0  }
0x62: {  	v0 =	vbroadcast v0, $0x0;
	[sflag:s24] =	ssyncadd.s32 $0xFFFFE000  }
0x63: {  	_ =	swait.ge [sflag:s24], $0x2000  }
0x64: {  	v1 =	vor.u32 v31, v0;
	[sflag:s24] =	ssyncset.done $0x0  }
0x65: {  	v2 =	vor.u32 v30, v0;
	[sflag:s24] =	ssyncadd.s32 $0xFFFFE000  }
0x66: {  	_ =	swait.ge [sflag:s24], $0x2000  }
0x67: {  	v3 =	vor.u32 v33, v0;
	[sflag:s24] =	ssyncset.done $0x0  }
0x68: {  	v4 =	vor.u32 v17, v0;
	[sflag:s24] =	ssyncadd.s32 $0xFFFFE000  }
0x69: {  	v5 =	vor.u32 v19, v0;
	v6 =	vld.idx.msk [tilespmem:v1+s16+$0x0], $0xffff  }
0x6a: {  	v7 =	vor.u32 v21, v0;
	v2 =	vld.idx.msk [tilespmem:v2+s19+$0x0], $0xffff  }
0x6b: {  	v8 =	vor.u32 v41, v0;
	v1 =	vld.idx.msk [tilespmem:v1+s17+$0x0], $0xffff  }
0x6c: {  	v9 =	vor.u32 v42, v0;
	v3 =	vld.idx.msk [tilespmem:v3+s19+$0x0], $0xffff  }
0x6d: {  	v11 =	vor.u32 v44, v0;
	v4 =	vld.idx.msk [tilespmem:v4+s19+$0x0], $0xffff  }
0x6e: {  	v12 =	vor.u32 v45, v0;
	v5 =	vld.idx.msk [tilespmem:v5+s19+$0x0], $0xffff  }
0x6f: {  	v13 =	vor.u32 v46, v0;
	v7 =	vld.idx.msk [tilespmem:v7+s19+$0x0], $0xffff  }
0x70: {  	s0 =	simm.s32 $0x1;
	v18 =	vor.u32 v48, v0;
	v8 =	vld.idx.msk [tilespmem:v8+s19+$0x0], $0xffff  }
0x71: {  	v29 =	vmov s0;
	v22 =	vor.u32 v49, v0;
	v9 =	vld.idx.msk [tilespmem:v9+s19+$0x0], $0xffff  }
0x72: {  	v29 =	vand.u32 $0x3F, v29;
	v23 =	vor.u32 v50, v0;
	v11 =	vld.idx.msk [tilespmem:v11+s19+$0x0], $0xffff  }
0x73: {  	v39 =	vbroadcast v29, $0x0;
	v25 =	vor.u32 v15, v0;
	v12 =	vld.idx.msk [tilespmem:v12+s19+$0x0], $0xffff  }
0x74: {  	v10 =	vor.u32 v43, v0;
	v24 =	vor.u32 v14, v0;
	v26 =	vor.u32 v16, v0;
	v13 =	vld.idx.msk [tilespmem:v13+s19+$0x0], $0xffff  }
0x75: {  	v27 =	vor.u32 v20, v0;
	v28 =	vor.u32 v47, v0;
	v0 =	vor.u32 v51, v0;
	v18 =	vld.idx.msk [tilespmem:v18+s19+$0x0], $0xffff  }
0x76: {  	v31 =	vor.u32 v31, v39;
	v22 =	vld.idx.msk [tilespmem:v22+s19+$0x0], $0xffff  }
0x77: {  	v32 =	vor.u32 v30, v39;
	v29 =	vld.idx.msk [tilespmem:v23+s19+$0x0], $0xffff  }
0x78: {  	v25 =	vld.idx.msk [tilespmem:v25+s19+$0x0], $0xffff  }
0x79: {  	v59 =	vimm.f32 $0.0e+00;
	v36 =	vor.u32 v41, v39;
	v26 =	vld.idx.msk [tilespmem:v26+s19+$0x0], $0xffff;
	v2 =	vmul.f32 v2, v6  }
0x7a: {  	v40 =	vor.u32 v42, v39;
	v0 =	vld.idx.msk [tilespmem:v0+s19+$0x0], $0xffff;
	v1 =	vmul.f32 v1, v6;
	v3 =	vmul.f32 v3, v6  }
0x7b: {  	v61 =	vor.u32 v43, v39;
	v60 =	vld.idx.msk [tilespmem:v31+s16+$0x0], $0xffff;
	v5 =	vmul.f32 v5, v6;
	v7 =	vmul.f32 v7, v6  }
0x7c: {  	v57 =	vor.u32 v44, v39;
	v32 =	vld.idx.msk [tilespmem:v32+s19+$0x0], $0xffff;
	v8 =	vmul.f32 v8, v6;
	v11 =	vmul.f32 v11, v6  }
0x7d: {  	v55 =	vor.u32 v46, v39;
	v31 =	vld.idx.msk [tilespmem:v31+s17+$0x0], $0xffff;
	v12 =	vmul.f32 v12, v6;
	v13 =	vmul.f32 v13, v6  }
0x7e: {  	v56 =	vor.u32 v48, v39;
	v35 =	vmul.f32 v18, v6;
	v30 =	vmul.f32 v22, v6  }
0x7f: {  	v10 =	vld.idx.msk [tilespmem:v10+s19+$0x0], $0xffff;
	v29 =	vmul.f32 v29, v6;
	v34 =	vadd.f32 v2, v59;
	v2 =	vmul.f32 v4, v6  }
0x80: {  	v54 =	vor.u32 v49, v39;
	v25 =	vmul.f32 v25, v6;
	v26 =	vmul.f32 v26, v6  }
0x81: {  	v18 =	vmul.f32 v32, v60;
	v4 =	vld.idx.msk [tilespmem:v24+s19+$0x0], $0xffff;
	v63 =	vadd.f32 v2, v59;
	v2 =	vmul.f32 v9, v6  }
0x82: {  	v38 =	vmul.f32 v0, v6;
	v0 =	vmul.f32 v31, v60;
	v9 =	vld.idx.msk [tilespmem:v27+s19+$0x0], $0xffff;
	v27 =	vor.u32 v17, v39  }
0x83: {  	v1 =	vadd.f32 v1, v59;
	v23 =	vadd.f32 v2, v59;
	v2 =	vor.u32 v33, v39  }
0x84: {  	v3 =	vadd.f32 v3, v59;
	v24 =	vadd.f32 v8, v59;
	v8 =	vmul.f32 v10, v6;
	v10 =	vld.idx.msk [tilespmem:v28+s19+$0x0], $0xffff  }
0x85: {  	v53 =	vadd.f32 v5, v59;
	v52 =	vadd.f32 v7, v59;
	v28 =	vor.u32 v19, v39  }
0x86: {  	v58 =	vadd.f32 v18, v34;
	v34 =	vadd.f32 v11, v59;
	v11 =	vld.idx.msk [tilespmem:v36+s19+$0x0], $0xffff;
	v33 =	vor.u32 v21, v39  }
0x87: {  	v7 =	vor.u32 v45, v39;
	v32 =	vadd.f32 v12, v59;
	v5 =	vmul.f32 v4, v6;
	v4 =	vld.idx.msk [tilespmem:v27+s19+$0x0], $0xffff  }
0x88: {  	v35 =	vadd.f32 v35, v59;
	v31 =	vadd.f32 v29, v59;
	v18 =	vor.u32 v14, v39;
	v37 =	vld.idx.msk [tilespmem:v2+s19+$0x0], $0xffff  }
0x89: {  	v22 =	vadd.f32 v0, v1;
	v36 =	vadd.f32 v30, v59;
	v10 =	vmul.f32 v10, v6  }
0x8a: {  	v30 =	vadd.f32 v25, v59;
	v27 =	vmul.f32 v9, v6;
	v9 =	vld.idx.msk [tilespmem:v28+s19+$0x0], $0xffff;
	v29 =	vadd.f32 v5, v59  }
0x8b: {  	v0 =	vor.u32 v15, v39;
	v28 =	vadd.f32 v26, v59;
	v26 =	vadd.f32 v10, v59;
	v6 =	vld.idx.msk [tilespmem:v33+s19+$0x0], $0xffff  }
0x8c: {  	s0 =	simm.s32 $0x2;
	v10 =	vmul.f32 v11, v60;
	v2 =	vor.u32 v50, v39;
	v33 =	vadd.f32 v13, v59;
	v13 =	vld.idx.msk [tilespmem:v40+s19+$0x0], $0xffff  }
0x8d: {  	v40 =	vld.idx.msk [tilespmem:v7+s19+$0x0], $0xffff;
	v7 =	vmov s0;
	v4 =	vmul.f32 v4, v60;
	v1 =	vmul.f32 v37, v60  }
0x8e: {  	v5 =	vld.idx.msk [tilespmem:v55+s19+$0x0], $0xffff;
	v27 =	vadd.f32 v27, v59;
	v12 =	vand.u32 $0x3F, v7;
	v37 =	vadd.f32 v8, v59  }
0x8f: {  	v7 =	vld.idx.msk [tilespmem:v54+s19+$0x0], $0xffff;
	v63 =	vadd.f32 v4, v63;
	v62 =	vadd.f32 v1, v3;
	v1 =	vmul.f32 v9, v60  }
0x90: {  	v4 =	vor.u32 v20, v39;
	v8 =	vld.idx.msk [tilespmem:v61+s19+$0x0], $0xffff;
	v6 =	vmul.f32 v6, v60;
	v3 =	vor.u32 v16, v39  }
0x91: {  	v11 =	vmul.f32 v13, v60;
	v9 =	vld.idx.msk [tilespmem:v57+s19+$0x0], $0xffff;
	v61 =	vadd.f32 v1, v53;
	v1 =	vor.u32 v47, v39  }
0x92: {  	s31 =	simm.s32 $0x3;
	v25 =	vadd.f32 v6, v52;
	v6 =	vld.idx.msk [tilespmem:v56+s19+$0x0], $0xffff;
	v52 =	vmovc v14;
	v39 =	vor.u32 v51, v39;
	v53 =	vmov v15  }
.LBB2_3:
0x93: {  	v15 =	vld.idx.msk [tilespmem:v0+s19+$0x0], $0xffff  }
0x94: {  	v0 =	vld [tilespmem:$0x1FFD0]  }
0x95: {  	v20 =	vld.idx.msk [tilespmem:v3+s19+$0x0], $0xffff  }
0x96: {  	v47 =	vld.idx.msk [tilespmem:v1+s19+$0x0], $0xffff  }
0x97: {  	v1 =	vld [tilespmem:$0x1FF90]  }
0x98: {  	v12 =	vbroadcast v12, $0x0;
	v24 =	vadd.f32 v10, v24;
	v10 =	vld.idx.msk [tilespmem:v2+s19+$0x0], $0xffff  }
0x99: {  	v57 =	vmov v45;
	v23 =	vadd.f32 v11, v23;
	v2 =	vld [tilespmem:$0x1FEE0]  }
0x9a: {  	v11 =	vld.idx.msk [tilespmem:v18+s19+$0x0], $0xffff;
	v45 =	vor.u32 v45, v12;
	v14 =	vor.u32 v17, v12;
	v17 =	vor.u32 v21, v12  }
0x9b: {  	v21 =	vor.u32 v41, v12;
	v41 =	vor.u32 v42, v12;
	v42 =	vor.u32 v43, v12;
	v43 =	vld.idx.msk [tilespmem:v4+s19+$0x0], $0xffff  }
0x9c: {  	v16 =	vor.u32 v19, v12;
	v19 =	vor.u32 v0, v12;
	v0 =	vld [tilespmem:$0x1FF50]  }
0x9d: {  	v8 =	vmul.f32 v8, v60;
	v3 =	vor.u32 v1, v12;
	v1 =	vld [tilespmem:$0x1FFA0]  }
0x9e: {  	v9 =	vmul.f32 v9, v60;
	v13 =	vor.u32 v2, v12;
	v2 =	vld [tilespmem:$0x1FED0]  }
0x9f: {  	v37 =	vadd.f32 v8, v37;
	v8 =	vmul.f32 v40, v60;
	v40 =	vld.idx.msk [tilespmem:v45+s19+$0x0], $0xffff  }
0xa0: {  	v5 =	vmul.f32 v5, v60;
	v6 =	vmul.f32 v6, v60;
	v34 =	vadd.f32 v9, v34;
	v9 =	vld.idx.msk [tilespmem:v14+s19+$0x0], $0xffff  }
0xa1: {  	v32 =	vadd.f32 v8, v32;
	v8 =	vmul.f32 v10, v60;
	v10 =	vmul.f32 v11, v60;
	v11 =	vld.idx.msk [tilespmem:v16+s19+$0x0], $0xffff  }
0xa2: {  	v33 =	vadd.f32 v5, v33;
	v5 =	vmul.f32 v15, v60;
	v15 =	vld.idx.msk [tilespmem:v17+s19+$0x0], $0xffff  }
0xa3: {  	v35 =	vadd.f32 v6, v35;
	v6 =	vmul.f32 v43, v60;
	v43 =	vld [tilespmem:$0x1FF40]  }
0xa4: {  	v17 =	vld.idx.msk [tilespmem:v21+s19+$0x0], $0xffff  }
0xa5: {  	v21 =	vld [tilespmem:$0x1FF10]  }
0xa6: {  	v4 =	vor.u32 v1, v12;
	v1 =	vld [tilespmem:$0x1FFB0]  }
0xa7: {  	v59 =	vadd.f32 v38, v59;
	v55 =	vmov v48;
	v31 =	vadd.f32 v8, v31;
	v8 =	vld.idx.msk [tilespmem:v42+s19+$0x0], $0xffff  }
0xa8: {  	v48 =	vor.u32 v48, v12;
	v38 =	vor.u32 v2, v12;
	v2 =	vor.u32 v50, v12;
	v50 =	vld.idx.msk [tilespmem:v39+s19+$0x0], $0xffff  }
0xa9: {  	v39 =	vld [tilespmem:$0x1FFC0]  }
0xaa: {  	v42 =	vld [tilespmem:$0x1FF30]  }
0xab: {  	v51 =	vld.idx.msk [tilespmem:v13+s16+$0x0], $0xffff  }
0xac: {  	v54 =	vmovc v46;
	v56 =	vmov v49;
	v46 =	vor.u32 v46, v12;
	v49 =	vor.u32 v49, v12;
	v13 =	vld.idx.msk [tilespmem:v13+s17+$0x0], $0xffff  }
0xad: {  	v18 =	vor.u32 v52, v12;
	v44 =	vor.u32 v0, v12;
	v27 =	vadd.f32 v6, v27;
	v6 =	vld.idx.msk [tilespmem:v48+s19+$0x0], $0xffff  }
0xae: {  	v0 =	vor.u32 v53, v12;
	v1 =	vor.u32 v1, v12;
	v39 =	vor.u32 v39, v12;
	v12 =	vld.idx.msk [tilespmem:v19+s19+$0x0], $0xffff  }
0xaf: {  	v7 =	vmul.f32 v7, v60;
	v19 =	vld.idx.msk [tilespmem:v38+s19+$0x0], $0xffff  }
0xb0: {  	v14 =	vmul.f32 v20, v60;
	v38 =	vmul.f32 v50, v60;
	v50 =	vld [tilespmem:$0x1FF60]  }
0xb1: {  	v36 =	vadd.f32 v7, v36;
	v16 =	vmul.f32 v47, v60;
	v7 =	vmul.f32 v13, v51;
	v13 =	vld.idx.msk [tilespmem:v41+s19+$0x0], $0xffff  }
0xb2: {  	v30 =	vadd.f32 v5, v30;
	v29 =	vadd.f32 v10, v29;
	v41 =	vld [tilespmem:$0x1FF20]  }
0xb3: {  	p0 =	sne.s32 s31, $0x3F;
	v28 =	vadd.f32 v14, v28;
	v26 =	vadd.f32 v16, v26;
	v5 =	vmul.f32 v9, v51;
	v9 =	vld.idx.msk [tilespmem:v44+s19+$0x0], $0xffff  }
.Ltmp0:
0xb4: {  	v44 =	vld [tilespmem:$0x1FF50];
	v22 =	vadd.f32 v7, v22;
	v7 =	vmul.f32 v11, v51;
	v11 =	vmul.f32 v15, v51;
	(pc) =	sbr.rel @p0 .LBB2_3-.Ltmp0, $4  }
0xb5: {  	v60 =	vmov v51;
	v63 =	vadd.f32 v5, v63;
	v5 =	vld.idx.msk [tilespmem:v46+s19+$0x0], $0xffff;
	v12 =	vmul.f32 v12, v51  }
0xb6: {  	v61 =	vadd.f32 v7, v61;
	v25 =	vadd.f32 v11, v25;
	v7 =	vld.idx.msk [tilespmem:v49+s19+$0x0], $0xffff;
	v10 =	vmul.f32 v19, v51  }
0xb7: {  	v45 =	vmovc v57;
	v48 =	vmovc v55;
	v19 =	vld [tilespmem:$0x1FF00];
	v11 =	vmul.f32 v13, v60;
	v58 =	vadd.f32 v12, v58;
	v12 =	vmov s31  }
0xb8: {  	v46 =	vmovc v54;
	v49 =	vmovc v56;
	v62 =	vadd.f32 v10, v62;
	v10 =	vmul.f32 v17, v51;
	v17 =	vld [tilespmem:$0x1FEF0];
	s31 =	sadd.s32 $0x1, s31;
	v12 =	vand.u32 $0x3F, v12  }
0xb9: {  	_ =	sdelay $0x3  }
0xba: {  	v2 =	vld.idx.msk [tilespmem:v2+s19+$0x0], $0xffff  }
0xbb: {  	v13 =	vld.idx.msk [tilespmem:v18+s19+$0x0], $0xffff  }
0xbc: {  	v14 =	vld [tilespmem:$0x1FEE0]  }
0xbd: {  	v0 =	vld.idx.msk [tilespmem:v0+s19+$0x0], $0xffff  }
0xbe: {  	v12 =	vbroadcast v12, $0x0;
	v15 =	vld [tilespmem:$0x1FFD0]  }
0xbf: {  	v3 =	vld.idx.msk [tilespmem:v3+s19+$0x0], $0xffff  }
0xc0: {  	v4 =	vld.idx.msk [tilespmem:v4+s19+$0x0], $0xffff;
	v21 =	vor.u32 v21, v12  }
0xc1: {  	v18 =	vld.idx.msk [tilespmem:v39+s19+$0x0], $0xffff;
	v39 =	vor.u32 v41, v12  }
0xc2: {  	v47 =	vld [tilespmem:$0x1FED0];
	v41 =	vor.u32 v42, v12  }
0xc3: {  	v1 =	vld.idx.msk [tilespmem:v1+s19+$0x0], $0xffff;
	v38 =	vadd.f32 v38, v59;
	v42 =	vor.u32 v43, v12  }
0xc4: {  	v43 =	vor.u32 v44, v12;
	v59 =	vor.u32 v49, v12;
	v49 =	vor.u32 v52, v12;
	v52 =	vld [tilespmem:$0x1FFA0]  }
0xc5: {  	v51 =	vor.u32 v45, v12;
	v21 =	vld.idx.msk [tilespmem:v21+s19+$0x0], $0xffff  }
0xc6: {  	v8 =	vmul.f32 v8, v60;
	v10 =	vadd.f32 v10, v24;
	v24 =	vor.u32 v46, v12;
	v39 =	vld.idx.msk [tilespmem:v39+s19+$0x0], $0xffff  }
0xc7: {  	v41 =	vld.idx.msk [tilespmem:v41+s19+$0x0], $0xffff  }
0xc8: {  	v11 =	vadd.f32 v11, v23;
	v23 =	vor.u32 v48, v12;
	v8 =	vadd.f32 v8, v37;
	v37 =	vld.idx.msk [tilespmem:v42+s19+$0x0], $0xffff  }
0xc9: {  	v48 =	vld.idx.msk [tilespmem:v43+s19+$0x0], $0xffff  }
0xca: {  	v44 =	vld.idx.msk [tilespmem:v51+s19+$0x0], $0xffff  }
0xcb: {  	v24 =	vld.idx.msk [tilespmem:v24+s19+$0x0], $0xffff  }
0xcc: {  	v51 =	vld [tilespmem:$0x1FF90]  }
0xcd: {  	v19 =	vor.u32 v19, v12;
	v17 =	vor.u32 v17, v12;
	v23 =	vld.idx.msk [tilespmem:v23+s19+$0x0], $0xffff  }
0xce: {  	v2 =	vmul.f32 v2, v60;
	v42 =	vor.u32 v50, v12;
	v50 =	vor.u32 v53, v12;
	v53 =	vld.idx.msk [tilespmem:v59+s19+$0x0], $0xffff  }
0xcf: {  	v14 =	vor.u32 v14, v12;
	v0 =	vmul.f32 v0, v60;
	v59 =	vld [tilespmem:$0x1FFB0]  }
0xd0: {  	v2 =	vadd.f32 v2, v31;
	v31 =	vld [tilespmem:$0x1FFC0]  }
0xd1: {  	v16 =	vor.u32 v47, v12;
	v0 =	vadd.f32 v0, v30;
	v30 =	vld [tilespmem:$0x1FDC0]  }
0xd2: {  	v15 =	vor.u32 v15, v12;
	v19 =	vld.idx.msk [tilespmem:v19+s19+$0x0], $0xffff  }
0xd3: {  	v17 =	vld.idx.msk [tilespmem:v17+s19+$0x0], $0xffff  }
0xd4: {  	v6 =	vmul.f32 v6, v60;
	v20 =	vld.idx.msk [tilespmem:v14+s16+$0x0], $0xffff  }
0xd5: {  	v5 =	vmul.f32 v5, v60;
	v14 =	vld.idx.msk [tilespmem:v14+s17+$0x0], $0xffff  }
0xd6: {  	v6 =	vadd.f32 v6, v35;
	v35 =	vor.u32 v52, v12;
	v16 =	vld.idx.msk [tilespmem:v16+s19+$0x0], $0xffff  }
0xd7: {  	v5 =	vadd.f32 v5, v33;
	v15 =	vld.idx.msk [tilespmem:v15+s19+$0x0], $0xffff;
	v33 =	vor.u32 v51, v12  }
0xd8: {  	v13 =	vmul.f32 v13, v60;
	v45 =	vor.u32 v59, v12;
	v42 =	vld.idx.msk [tilespmem:v42+s19+$0x0], $0xffff  }
0xd9: {  	v3 =	vmul.f32 v3, v60;
	v12 =	vor.u32 v31, v12;
	v31 =	vld.idx.msk [tilespmem:v49+s19+$0x0], $0xffff  }
0xda: {  	v13 =	vadd.f32 v13, v29;
	v29 =	vld.idx.msk [tilespmem:v50+s19+$0x0], $0xffff;
	v14 =	vmul.f32 v14, v20  }
0xdb: {  	v4 =	vmul.f32 v4, v60;
	v3 =	vadd.f32 v3, v28;
	v28 =	vld.idx.msk [tilespmem:v35+s19+$0x0], $0xffff;
	v16 =	vmul.f32 v16, v20  }
0xdc: {  	v14 =	vadd.f32 v14, v22;
	v22 =	vld.idx.msk [tilespmem:v33+s19+$0x0], $0xffff  }
0xdd: {  	v4 =	vadd.f32 v4, v27;
	v16 =	vadd.f32 v16, v62;
	v27 =	vld.idx.msk [tilespmem:v45+s19+$0x0], $0xffff  }
0xde: {  	v12 =	vld.idx.msk [tilespmem:v12+s19+$0x0], $0xffff;
	[tilespmem:$0xDC00] =	vst v14  }
0xdf: {  	[tilespmem:v30+s25+$0x0] =	vst.idx.msk $0xffff, v16;
	v16 =	vld [tilespmem:$0x1FCA0];
	_ =	sdelay $0x3  }
0xe0: {  	v17 =	vmul.f32 v17, v20;
	_ =	sdelay $0x1  }
0xe1: {  	v17 =	vadd.f32 v17, v63;
	_ =	sdelay $0x1  }
0xe2: {  	[tilespmem:v16+s25+$0x0] =	vst.idx.msk $0xffff, v17;
	v17 =	vld [tilespmem:$0x1FCB0];
	_ =	sdelay $0x3  }
0xe3: {  	v19 =	vmul.f32 v19, v20;
	_ =	sdelay $0x1  }
0xe4: {  	v19 =	vadd.f32 v19, v61  }
0xe5: {  	v16 =	vmul.f32 v37, v20  }
0xe6: {  	[tilespmem:v17+s25+$0x0] =	vst.idx.msk $0xffff, v19;
	v19 =	vld [tilespmem:$0x1FCC0]  }
0xe7: {  	v8 =	vadd.f32 v16, v8;
	v16 =	vld [tilespmem:$0x1FCD0];
	_ =	sdelay $0x2  }
0xe8: {  	v14 =	vmul.f32 v21, v20  }
0xe9: {  	v21 =	vmul.f32 v39, v20  }
0xea: {  	v14 =	vadd.f32 v14, v25  }
0xeb: {  	v10 =	vadd.f32 v21, v10  }
0xec: {  	[tilespmem:v19+s25+$0x0] =	vst.idx.msk $0xffff, v14  }
0xed: {  	[tilespmem:v16+s25+$0x0] =	vst.idx.msk $0xffff, v10;
	v16 =	vld [tilespmem:$0x1FCE0];
	_ =	sdelay $0x1  }
0xee: {  	v1 =	vmul.f32 v1, v60;
	_ =	sdelay $0x1  }
0xef: {  	v1 =	vadd.f32 v1, v26;
	v26 =	vmul.f32 v41, v20;
	_ =	sdelay $0x1  }
0xf0: {  	v11 =	vadd.f32 v26, v11  }
0xf1: {  	v10 =	vmul.f32 v24, v20  }
0xf2: {  	[tilespmem:v16+s25+$0x0] =	vst.idx.msk $0xffff, v11;
	v16 =	vld [tilespmem:$0x1FCF0]  }
0xf3: {  	v5 =	vadd.f32 v10, v5;
	v10 =	vld [tilespmem:$0x1FD00];
	_ =	sdelay $0x1  }
0xf4: {  	v9 =	vmul.f32 v9, v60;
	_ =	sdelay $0x1  }
0xf5: {  	v9 =	vadd.f32 v9, v34;
	v17 =	vmul.f32 v48, v20  }
0xf6: {  	v7 =	vmul.f32 v7, v60  }
0xf7: {  	v9 =	vadd.f32 v17, v9  }
0xf8: {  	v7 =	vadd.f32 v7, v36;
	[tilespmem:v16+s25+$0x0] =	vst.idx.msk $0xffff, v8;
	v8 =	vmul.f32 v53, v20  }
0xf9: {  	[tilespmem:v10+s25+$0x0] =	vst.idx.msk $0xffff, v9;
	v10 =	vld [tilespmem:$0x1FD10]  }
0xfa: {  	v7 =	vadd.f32 v8, v7;
	v8 =	vld [tilespmem:$0x1FD20]  }
0xfb: {  	v40 =	vmul.f32 v40, v60;
	_ =	sdelay $0x1  }
0xfc: {  	v32 =	vadd.f32 v40, v32;
	v14 =	vmul.f32 v44, v20;
	_ =	sdelay $0x1  }
0xfd: {  	v14 =	vadd.f32 v14, v32;
	_ =	sdelay $0x1  }
0xfe: {  	[tilespmem:v10+s25+$0x0] =	vst.idx.msk $0xffff, v14  }
0xff: {  	v9 =	vmul.f32 v42, v20;
	[tilespmem:v8+s25+$0x0] =	vst.idx.msk $0xffff, v5;
	v8 =	vld [tilespmem:$0x1FD30]  }
0x100: {  	v5 =	vmul.f32 v29, v20  }
0x101: {  	v2 =	vadd.f32 v9, v2;
	v9 =	vld [tilespmem:$0x1FD40]  }
0x102: {  	v0 =	vadd.f32 v5, v0;
	v5 =	vld [tilespmem:$0x1FD50]  }
0x103: {  	v11 =	vmul.f32 v23, v20;
	_ =	sdelay $0x1  }
0x104: {  	v6 =	vadd.f32 v11, v6;
	_ =	sdelay $0x1  }
0x105: {  	[tilespmem:v8+s25+$0x0] =	vst.idx.msk $0xffff, v6;
	v6 =	vmul.f32 v22, v20  }
0x106: {  	s0 =	simm.s32 $0x0  }
0x107: {  	[tilespmem:v9+s25+$0x0] =	vst.idx.msk $0xffff, v7;
	v7 =	vmov s0;
	v3 =	vadd.f32 v6, v3;
	v6 =	vld [tilespmem:$0x1FD60]  }
0x108: {  	[tilespmem:v5+s25+$0x0] =	vst.idx.msk $0xffff, v2;
	v2 =	vand.u32 $0x3F, v7;
	v7 =	vld [tilespmem:$0x1FD70];
	_ =	sdelay $0x2  }
0x109: {  	v10 =	vmul.f32 v31, v20;
	_ =	sdelay $0x1  }
0x10a: {  	v8 =	vadd.f32 v10, v13  }
0x10b: {  	v5 =	vmul.f32 v27, v20  }
0x10c: {  	[tilespmem:v6+s25+$0x0] =	vst.idx.msk $0xffff, v8  }
0x10d: {  	[tilespmem:v7+s25+$0x0] =	vst.idx.msk $0xffff, v0;
	v0 =	vadd.f32 v5, v1;
	v1 =	vld [tilespmem:$0x1FD80];
	_ =	sdelay $0x7  }
0x10e: {  	[tilespmem:v1+s25+$0x0] =	vst.idx.msk $0xffff, v3;
	v3 =	vld [tilespmem:$0x1FD90]  }
0x10f: {  	v5 =	vld [tilespmem:$0x1FDA0];
	_ =	sdelay $0x2  }
0x110: {  	v9 =	vmul.f32 v28, v20;
	_ =	sdelay $0x1  }
0x111: {  	v4 =	vadd.f32 v9, v4;
	_ =	sdelay $0x1  }
0x112: {  	[tilespmem:v3+s25+$0x0] =	vst.idx.msk $0xffff, v4  }
0x113: {  	[tilespmem:v5+s25+$0x0] =	vst.idx.msk $0xffff, v0;
	v0 =	vld [tilespmem:$0x1FDB0]  }
0x114: {  	v46 =	vld [tilespmem:$0x1FE30]  }
0x115: {  	v18 =	vmul.f32 v18, v60;
	v52 =	vld [tilespmem:$0x1FFE0]  }
0x116: {  	v43 =	vld [tilespmem:$0x1FE00]  }
0x117: {  	v18 =	vadd.f32 v18, v38;
	v49 =	vld [tilespmem:$0x1FE60];
	v6 =	vbroadcast v2, $0x0;
	v2 =	vmul.f32 v12, v20  }
0x118: {  	v50 =	vld [tilespmem:$0x1FE70]  }
0x119: {  	v51 =	vld [tilespmem:$0x1FE80];
	v2 =	vadd.f32 v2, v18  }
0x11a: {  	v41 =	vld [tilespmem:$0x1FDE0]  }
0x11b: {  	[tilespmem:v0+s25+$0x0] =	vst.idx.msk $0xffff, v2;
	v2 =	vld [tilespmem:$0x1FDD0]  }
0x11c: {  	v45 =	vld [tilespmem:$0x1FE20]  }
0x11d: {  	v53 =	vld [tilespmem:$0x1FFF0]  }
0x11e: {  	v26 =	vld [tilespmem:$0x1FEA0]  }
0x11f: {  	v15 =	vmul.f32 v15, v20;
	v25 =	vld [tilespmem:$0x1FE90];
	v29 =	vadd.s32 $0x54C0, v47;
	v1 =	vor.u32 v52, v6  }
0x120: {  	v48 =	vld [tilespmem:$0x1FE50];
	v3 =	vor.u32 v29, v6  }
0x121: {  	v42 =	vld [tilespmem:$0x1FDF0];
	v4 =	vadd.f32 v15, v58  }
0x122: {  	v44 =	vld [tilespmem:$0x1FE10];
	v0 =	vor.u32 v53, v6  }
0x123: {  	v21 =	vadd.s32 $0x5400, v47;
	v23 =	vadd.s32 $0x5440, v47;
	v22 =	vadd.s32 $0x5480, v47;
	v47 =	vld [tilespmem:$0x1FE40];
	[tilespmem:v2+s25+$0x0] =	vst.idx.msk $0xffff, v4  }
0x124: {  	v5 =	vor.u32 v43, v6;
	v24 =	vld.idx.msk [tilespmem:v1+s16+$0x0], $0xffff  }
0x125: {  	v2 =	vor.u32 v41, v6;
	v7 =	vld.idx.msk [tilespmem:v3+s19+$0x0], $0xffff  }
0x126: {  	v4 =	vor.u32 v42, v6;
	v8 =	vld.idx.msk [tilespmem:v1+s17+$0x0], $0xffff  }
0x127: {  	v3 =	vor.u32 v44, v6;
	v9 =	vld.idx.msk [tilespmem:v0+s19+$0x0], $0xffff  }
0x128: {  	v0 =	vld [tilespmem:$0x1FEB0]  }
0x129: {  	v40 =	vimm.f32 $0.0e+00;
	v1 =	vor.u32 v45, v6;
	v5 =	vld.idx.msk [tilespmem:v5+s19+$0x0], $0xffff  }
0x12a: {  	v34 =	vimm.f32 $0.0e+00;
	v36 =	vimm.f32 $0.0e+00;
	v38 =	vimm.f32 $0.0e+00;
	v11 =	vld.idx.msk [tilespmem:v2+s19+$0x0], $0xffff  }
0x12b: {  	v35 =	vimm.f32 $0.0e+00;
	v33 =	vimm.f32 $0.0e+00;
	v39 =	vimm.f32 $0.0e+00;
	v14 =	vld.idx.msk [tilespmem:v4+s19+$0x0], $0xffff  }
0x12c: {  	v28 =	vimm.f32 $0.0e+00;
	v10 =	vor.u32 v46, v6;
	v13 =	vor.u32 v48, v6;
	v18 =	vld.idx.msk [tilespmem:v3+s19+$0x0], $0xffff  }
0x12d: {  	[tilespmem:$0x1FC80] =	vst v21;
	v12 =	vor.u32 v47, v6;
	v16 =	vor.u32 v50, v6;
	v4 =	vor.u32 v0, v6;
	v0 =	vld [tilespmem:$0x1FEC0]  }
0x12e: {  	v17 =	vor.u32 v51, v6;
	v19 =	vor.u32 v25, v6;
	v3 =	vor.u32 v21, v6;
	v21 =	vld.idx.msk [tilespmem:v1+s19+$0x0], $0xffff  }
0x12f: {  	[tilespmem:$0x1FC90] =	vst v22;
	v15 =	vor.u32 v49, v6;
	v7 =	vmul.f32 v7, v24;
	v9 =	vmul.f32 v9, v24  }
0x130: {  	v27 =	vmovc v23;
	v20 =	vor.u32 v26, v6;
	v1 =	vor.u32 v22, v6;
	v5 =	vmul.f32 v5, v24  }
0x131: {  	v58 =	vadd.f32 v7, v28;
	v22 =	vadd.f32 v9, v28;
	v9 =	vld.idx.msk [tilespmem:v13+s19+$0x0], $0xffff;
	v7 =	vmul.f32 v11, v24  }
0x132: {  	v2 =	vor.u32 v23, v6;
	v11 =	vld.idx.msk [tilespmem:v12+s19+$0x0], $0xffff;
	v0 =	vor.u32 v0, v6;
	v6 =	vmul.f32 v8, v24  }
0x133: {  	v59 =	vadd.f32 v5, v28;
	v8 =	vld.idx.msk [tilespmem:v10+s19+$0x0], $0xffff;
	v5 =	vmul.f32 v21, v24;
	v63 =	vadd.f32 v7, v28  }
0x134: {  	v10 =	vld.idx.msk [tilespmem:v15+s19+$0x0], $0xffff;
	v7 =	vmul.f32 v18, v24;
	v23 =	vadd.f32 v6, v28;
	v6 =	vmul.f32 v14, v24  }
0x135: {  	v30 =	vimm.f32 $0.0e+00;
	v37 =	vimm.f32 $0.0e+00;
	s0 =	simm.s32 $0x1;
	v61 =	vadd.f32 v5, v28;
	v5 =	vld.idx.msk [tilespmem:v17+s19+$0x0], $0xffff  }
0x136: {  	v60 =	vadd.f32 v7, v28;
	v7 =	vld.idx.msk [tilespmem:v16+s19+$0x0], $0xffff;
	v62 =	vadd.f32 v6, v28;
	v6 =	vmov s0  }
0x137: {  	v32 =	vimm.f32 $0.0e+00;
	v31 =	vimm.f32 $0.0e+00;
	v13 =	vand.u32 $0x3F, v6;
	v6 =	vld.idx.msk [tilespmem:v19+s19+$0x0], $0xffff  }
0x138: {  	s31 =	simm.s32 $0x2;
	v18 =	vimm.f32 $0.0e+00;
	v11 =	vmul.f32 v11, v24;
	v12 =	vmul.f32 v8, v24;
	v8 =	vld.idx.msk [tilespmem:v20+s19+$0x0], $0xffff  }
.LBB2_5:
0x139: {  	v16 =	vld.idx.msk [tilespmem:v3+s19+$0x0], $0xffff  }
0x13a: {  	v13 =	vbroadcast v13, $0x0;
	v18 =	vadd.f32 v11, v18;
	v11 =	vld.idx.msk [tilespmem:v0+s19+$0x0], $0xffff  }
0x13b: {  	v0 =	vld [tilespmem:$0x1FEB0]  }
0x13c: {  	v21 =	vld.idx.msk [tilespmem:v2+s19+$0x0], $0xffff;
	v20 =	vor.u32 v29, v13  }
0x13d: {  	v28 =	vadd.f32 v12, v28;
	v12 =	vld.idx.msk [tilespmem:v4+s19+$0x0], $0xffff;
	v14 =	vor.u32 v52, v13  }
0x13e: {  	v19 =	vor.u32 v42, v13;
	v42 =	vor.u32 v44, v13;
	v44 =	vld.idx.msk [tilespmem:v1+s19+$0x0], $0xffff  }
0x13f: {  	v17 =	vor.u32 v41, v13;
	v1 =	vld [tilespmem:$0x1FC80]  }
0x140: {  	v41 =	vor.u32 v43, v13;
	v43 =	vor.u32 v45, v13;
	v4 =	vor.u32 v0, v13;
	v0 =	vld [tilespmem:$0x1FEC0]  }
0x141: {  	v45 =	vor.u32 v46, v13;
	v46 =	vor.u32 v47, v13;
	v47 =	vor.u32 v48, v13;
	v20 =	vld.idx.msk [tilespmem:v20+s19+$0x0], $0xffff  }
0x142: {  	v48 =	vor.u32 v49, v13;
	v49 =	vor.u32 v50, v13;
	v50 =	vor.u32 v51, v13;
	v51 =	vld.idx.msk [tilespmem:v14+s16+$0x0], $0xffff  }
0x143: {  	v9 =	vmul.f32 v9, v24;
	v14 =	vld.idx.msk [tilespmem:v14+s17+$0x0], $0xffff  }
0x144: {  	v10 =	vmul.f32 v10, v24;
	v3 =	vor.u32 v1, v13;
	v1 =	vld [tilespmem:$0x1FC90]  }
0x145: {  	v7 =	vmul.f32 v7, v24;
	v40 =	vadd.f32 v9, v40;
	v9 =	vld.idx.msk [tilespmem:v17+s19+$0x0], $0xffff  }
0x146: {  	v39 =	vadd.f32 v10, v39;
	v10 =	vmul.f32 v12, v24;
	v12 =	vld.idx.msk [tilespmem:v19+s19+$0x0], $0xffff  }
0x147: {  	v5 =	vmul.f32 v5, v24;
	v38 =	vadd.f32 v7, v38;
	v7 =	vmul.f32 v16, v24;
	v16 =	vld.idx.msk [tilespmem:v41+s19+$0x0], $0xffff  }
0x148: {  	v6 =	vmul.f32 v6, v24;
	v41 =	vld [tilespmem:$0x1FDE0]  }
0x149: {  	v37 =	vadd.f32 v5, v37;
	v5 =	vmul.f32 v44, v24;
	v44 =	vld [tilespmem:$0x1FE10]  }
0x14a: {  	v11 =	vmul.f32 v11, v24;
	v36 =	vadd.f32 v6, v36;
	v6 =	vld.idx.msk [tilespmem:v42+s19+$0x0], $0xffff  }
0x14b: {  	v15 =	vor.u32 v53, v13;
	v42 =	vld [tilespmem:$0x1FDF0]  }
0x14c: {  	v32 =	vadd.f32 v11, v32;
	v11 =	vld.idx.msk [tilespmem:v45+s19+$0x0], $0xffff  }
0x14d: {  	v45 =	vld [tilespmem:$0x1FE20]  }
0x14e: {  	v31 =	vadd.f32 v10, v31;
	v10 =	vld.idx.msk [tilespmem:v48+s19+$0x0], $0xffff  }
0x14f: {  	v2 =	vor.u32 v27, v13;
	v52 =	vor.u32 v25, v13;
	v8 =	vmul.f32 v8, v24;
	v48 =	vld [tilespmem:$0x1FE50]  }
0x150: {  	v53 =	vor.u32 v26, v13;
	v0 =	vor.u32 v0, v13;
	v1 =	vor.u32 v1, v13;
	v13 =	vld.idx.msk [tilespmem:v15+s19+$0x0], $0xffff  }
0x151: {  	v35 =	vadd.f32 v8, v35;
	v15 =	vmul.f32 v21, v24;
	v8 =	vmul.f32 v14, v51;
	v14 =	vld.idx.msk [tilespmem:v43+s19+$0x0], $0xffff  }
0x152: {  	v43 =	vld [tilespmem:$0x1FE00]  }
0x153: {  	v34 =	vadd.f32 v15, v34;
	v15 =	vld.idx.msk [tilespmem:v46+s19+$0x0], $0xffff  }
0x154: {  	v30 =	vadd.f32 v5, v30;
	v46 =	vld [tilespmem:$0x1FE30]  }
0x155: {  	v5 =	vmul.f32 v12, v51;
	v23 =	vadd.f32 v8, v23;
	v8 =	vmul.f32 v9, v51;
	v9 =	vld.idx.msk [tilespmem:v47+s19+$0x0], $0xffff  }
0x156: {  	v24 =	vmov v51;
	v47 =	vld [tilespmem:$0x1FE40]  }
0x157: {  	v6 =	vmul.f32 v6, v24;
	v62 =	vadd.f32 v5, v62;
	v5 =	vld.idx.msk [tilespmem:v50+s19+$0x0], $0xffff  }
0x158: {  	v50 =	vld [tilespmem:$0x1FE70]  }
0x159: {  	v33 =	vadd.f32 v7, v33;
	v60 =	vadd.f32 v6, v60;
	v6 =	vld.idx.msk [tilespmem:v52+s19+$0x0], $0xffff  }
0x15a: {  	p0 =	sne.s32 s31, $0x3F;
	v52 =	vld [tilespmem:$0x1FFE0];
	v63 =	vadd.f32 v8, v63;
	v8 =	vmul.f32 v16, v24;
	v7 =	vmul.f32 v13, v51  }
.Ltmp1:
0x15b: {  	v17 =	vmul.f32 v20, v51;
	v51 =	vld [tilespmem:$0x1FE80];
	(pc) =	sbr.rel @p0 .LBB2_5-.Ltmp1, $4  }
0x15c: {  	v59 =	vadd.f32 v8, v59;
	v8 =	vmul.f32 v14, v24;
	v22 =	vadd.f32 v7, v22;
	v7 =	vld.idx.msk [tilespmem:v49+s19+$0x0], $0xffff  }
0x15d: {  	v49 =	vld [tilespmem:$0x1FE60]  }
0x15e: {  	v12 =	vmul.f32 v11, v24;
	v13 =	vmov s31;
	v61 =	vadd.f32 v8, v61;
	v8 =	vld.idx.msk [tilespmem:v53+s19+$0x0], $0xffff  }
0x15f: {  	v58 =	vadd.f32 v17, v58;
	s31 =	sadd.s32 $0x1, s31;
	v13 =	vand.u32 $0x3F, v13;
	v11 =	vmul.f32 v15, v24;
	v53 =	vld [tilespmem:$0x1FFF0]  }
0x160: {  	_ =	sdelay $0x3  }
0x161: {  	v4 =	vld.idx.msk [tilespmem:v4+s19+$0x0], $0xffff  }
0x162: {  	v13 =	vbroadcast v13, $0x0;
	v15 =	vld.idx.msk [tilespmem:v0+s19+$0x0], $0xffff  }
0x163: {  	v3 =	vld.idx.msk [tilespmem:v3+s19+$0x0], $0xffff  }
0x164: {  	v2 =	vld.idx.msk [tilespmem:v2+s19+$0x0], $0xffff;
	v14 =	vor.u32 v52, v13  }
0x165: {  	v20 =	vld.idx.msk [tilespmem:v1+s19+$0x0], $0xffff;
	v16 =	vor.u32 v29, v13  }
0x166: {  	v12 =	vadd.f32 v12, v28;
	v28 =	vor.u32 v49, v13;
	v49 =	vld [tilespmem:$0x1FC90]  }
0x167: {  	v19 =	vor.u32 v41, v13;
	v41 =	vor.u32 v45, v13;
	v45 =	vor.u32 v50, v13;
	v50 =	vld [tilespmem:$0x1FEC0]  }
0x168: {  	v21 =	vor.u32 v42, v13;
	v17 =	vor.u32 v53, v13;
	v53 =	vor.u32 v47, v13;
	v47 =	vld [tilespmem:$0x1FC80]  }
0x169: {  	v29 =	vor.u32 v43, v13;
	v0 =	vld.idx.msk [tilespmem:v14+s16+$0x0], $0xffff  }
0x16a: {  	v1 =	vld.idx.msk [tilespmem:v16+s19+$0x0], $0xffff  }
0x16b: {  	v52 =	vor.u32 v46, v13;
	v14 =	vld.idx.msk [tilespmem:v14+s17+$0x0], $0xffff  }
0x16c: {  	v19 =	vld.idx.msk [tilespmem:v19+s19+$0x0], $0xffff  }
0x16d: {  	v48 =	vor.u32 v48, v13;
	v21 =	vld.idx.msk [tilespmem:v21+s19+$0x0], $0xffff  }
0x16e: {  	v29 =	vld.idx.msk [tilespmem:v29+s19+$0x0], $0xffff  }
0x16f: {  	v41 =	vld.idx.msk [tilespmem:v41+s19+$0x0], $0xffff  }
0x170: {  	v11 =	vadd.f32 v11, v18;
	v18 =	vor.u32 v51, v13;
	v42 =	vld.idx.msk [tilespmem:v52+s19+$0x0], $0xffff  }
0x171: {  	v52 =	vld [tilespmem:$0x1FEB0]  }
0x172: {  	v9 =	vmul.f32 v9, v24;
	v16 =	vor.u32 v44, v13;
	v44 =	vld.idx.msk [tilespmem:v48+s19+$0x0], $0xffff  }
0x173: {  	v10 =	vmul.f32 v10, v24;
	v5 =	vmul.f32 v5, v24;
	v28 =	vld.idx.msk [tilespmem:v28+s19+$0x0], $0xffff  }
0x174: {  	v6 =	vmul.f32 v6, v24;
	v51 =	vor.u32 v25, v13;
	v3 =	vmul.f32 v3, v24;
	v45 =	vld.idx.msk [tilespmem:v45+s19+$0x0], $0xffff  }
0x175: {  	v7 =	vmul.f32 v7, v24;
	v9 =	vadd.f32 v9, v40;
	v10 =	vadd.f32 v10, v39;
	v18 =	vld.idx.msk [tilespmem:v18+s19+$0x0], $0xffff  }
0x176: {  	v43 =	vor.u32 v26, v13;
	v5 =	vadd.f32 v5, v37;
	v3 =	vadd.f32 v3, v33;
	v33 =	vld [tilespmem:$0x1FDC0]  }
0x177: {  	v6 =	vadd.f32 v6, v36;
	v7 =	vadd.f32 v7, v38;
	v39 =	vld.idx.msk [tilespmem:v53+s19+$0x0], $0xffff;
	v53 =	vor.u32 v52, v13  }
0x178: {  	v8 =	vmul.f32 v8, v24;
	v4 =	vmul.f32 v4, v24;
	v48 =	vor.u32 v27, v13;
	v17 =	vld.idx.msk [tilespmem:v17+s19+$0x0], $0xffff  }
0x179: {  	v15 =	vmul.f32 v15, v24;
	v2 =	vmul.f32 v2, v24;
	v51 =	vld.idx.msk [tilespmem:v51+s19+$0x0], $0xffff;
	v26 =	vor.u32 v47, v13  }
0x17a: {  	v20 =	vmul.f32 v20, v24;
	v8 =	vadd.f32 v8, v35;
	v25 =	vor.u32 v49, v13;
	v16 =	vld.idx.msk [tilespmem:v16+s19+$0x0], $0xffff  }
0x17b: {  	v4 =	vadd.f32 v4, v31;
	v15 =	vadd.f32 v15, v32;
	v13 =	vor.u32 v50, v13;
	v52 =	vld.idx.msk [tilespmem:v43+s19+$0x0], $0xffff  }
0x17c: {  	v2 =	vadd.f32 v2, v34;
	v14 =	vmul.f32 v14, v0;
	v31 =	vld.idx.msk [tilespmem:v53+s19+$0x0], $0xffff;
	v53 =	vadd.s32 $0x180, v33  }
0x17d: {  	v20 =	vadd.f32 v20, v30;
	v37 =	vadd.s32 $0x181, v33;
	v38 =	vld.idx.msk [tilespmem:v48+s19+$0x0], $0xffff;
	v17 =	vmul.f32 v17, v0  }
0x17e: {  	v19 =	vmul.f32 v19, v0;
	v30 =	vadd.s32 $0x182, v33;
	v14 =	vadd.f32 v14, v23;
	v23 =	vld.idx.msk [tilespmem:v26+s19+$0x0], $0xffff  }
0x17f: {  	v21 =	vmul.f32 v21, v0;
	v40 =	vadd.s32 $0x183, v33;
	v17 =	vadd.f32 v17, v22;
	v22 =	vld.idx.msk [tilespmem:v25+s19+$0x0], $0xffff  }
0x180: {  	v29 =	vmul.f32 v29, v0;
	v19 =	vadd.f32 v19, v63;
	v13 =	vld.idx.msk [tilespmem:v13+s19+$0x0], $0xffff;
	[tilespmem:$0xDC10] =	vst v14;
	v14 =	vadd.s32 $0x184, v33  }
0x181: {  	v16 =	vmul.f32 v16, v0;
	[tilespmem:v53+s25+$0x0] =	vst.idx.msk $0xffff, v17;
	v17 =	vadd.f32 v21, v62;
	v21 =	vadd.s32 $0x185, v33  }
0x182: {  	v41 =	vmul.f32 v41, v0;
	[tilespmem:v37+s25+$0x0] =	vst.idx.msk $0xffff, v19;
	v19 =	vadd.f32 v29, v59;
	v29 =	vadd.s32 $0x186, v33  }
0x183: {  	v16 =	vadd.f32 v16, v60;
	[tilespmem:v30+s25+$0x0] =	vst.idx.msk $0xffff, v17;
	v17 =	vmul.f32 v42, v0;
	v30 =	vadd.s32 $0x187, v33  }
0x184: {  	v43 =	vadd.s32 $0x188, v33;
	v42 =	vmul.f32 v39, v0;
	[tilespmem:v40+s25+$0x0] =	vst.idx.msk $0xffff, v19;
	v19 =	vadd.f32 v41, v61  }
0x185: {  	[tilespmem:v14+s25+$0x0] =	vst.idx.msk $0xffff, v16;
	v12 =	vadd.f32 v17, v12;
	v14 =	vmul.f32 v44, v0;
	v16 =	vadd.s32 $0x189, v33  }
0x186: {  	v11 =	vadd.f32 v42, v11;
	v17 =	vmul.f32 v28, v0;
	[tilespmem:v21+s25+$0x0] =	vst.idx.msk $0xffff, v19;
	v19 =	vadd.s32 $0x18A, v33  }
0x187: {  	[tilespmem:v29+s25+$0x0] =	vst.idx.msk $0xffff, v12;
	v12 =	vmul.f32 v45, v0;
	v9 =	vadd.f32 v14, v9;
	v14 =	vadd.s32 $0x18B, v33  }
0x188: {  	v44 =	vmul.f32 v18, v0;
	v10 =	vadd.f32 v17, v10;
	v17 =	vadd.s32 $0x18C, v33;
	[tilespmem:v30+s25+$0x0] =	vst.idx.msk $0xffff, v11  }
0x189: {  	v45 =	vmul.f32 v51, v0;
	[tilespmem:v43+s25+$0x0] =	vst.idx.msk $0xffff, v9;
	v7 =	vadd.f32 v12, v7;
	v12 =	vadd.s32 $0x18D, v33  }
0x18a: {  	v47 =	vadd.s32 $0x18E, v33;
	v46 =	vmul.f32 v52, v0;
	v5 =	vadd.f32 v44, v5;
	[tilespmem:v16+s25+$0x0] =	vst.idx.msk $0xffff, v10  }
0x18b: {  	v49 =	vadd.s32 $0x18F, v33;
	v48 =	vmul.f32 v31, v0;
	v6 =	vadd.f32 v45, v6;
	[tilespmem:v19+s25+$0x0] =	vst.idx.msk $0xffff, v7  }
0x18c: {  	v8 =	vadd.f32 v46, v8;
	v50 =	vmul.f32 v13, v0;
	v51 =	vadd.s32 $0x190, v33;
	[tilespmem:v14+s25+$0x0] =	vst.idx.msk $0xffff, v5  }
0x18d: {  	v52 =	vmul.f32 v23, v0;
	v53 =	vadd.s32 $0x191, v33;
	v4 =	vadd.f32 v48, v4;
	[tilespmem:v17+s25+$0x0] =	vst.idx.msk $0xffff, v6  }
0x18e: {  	v59 =	vmul.f32 v38, v0;
	v5 =	vadd.f32 v50, v15;
	[tilespmem:v12+s25+$0x0] =	vst.idx.msk $0xffff, v8;
	v12 =	vadd.s32 $0x192, v33  }
0x18f: {  	v60 =	vmul.f32 v22, v0;
	v3 =	vadd.f32 v52, v3;
	v61 =	vadd.s32 $0x193, v33;
	[tilespmem:v47+s25+$0x0] =	vst.idx.msk $0xffff, v4  }
0x190: {  	v62 =	vadd.f32 v59, v2;
	v0 =	vmul.f32 v1, v0;
	[tilespmem:v49+s25+$0x0] =	vst.idx.msk $0xffff, v5  }
0x191: {  	v63 =	vadd.f32 v60, v20;
	[tilespmem:v51+s25+$0x0] =	vst.idx.msk $0xffff, v3  }
0x192: {  	s0 =	sadd.s32 s7, s30;
	v0 =	vadd.f32 v0, v58;
	[tilespmem:v53+s25+$0x0] =	vst.idx.msk $0xffff, v62  }
0x193: {  	s30 =	sshrl.u32 s0, $0x3;
	[tilespmem:v12+s25+$0x0] =	vst.idx.msk $0xffff, v63  }
0x194: {  	s30 =	sadd.s32 s5, s30;
	[tilespmem:v61+s25+$0x0] =	vst.idx.msk $0xffff, v0  }
0x195: {  	[hbm4b:s30+s2] =	stream.linear.scatter [tilespmem:s26], [sflag:$0x2], $0x20, $0x38;
	[tilespmem:$0xDF20] =	vst v63  }
0x196: {  	s0 =	smul.u32 $0x3, s0;
	_ =	swait.ge [sflag:s12], $0x20  }
0x197: {  	[sflag:s12] =	ssyncset.done $0x0  }
0x198: {  	s0 =	sadd.s32 s6, s0;
	[sflag:s12] =	ssyncadd.s32 $0xFFFFFFE0  }
0x199: {  	[hbm4b:s0+s2] =	stream.linear.scatter [tilespmem:s25], [sflag:$0x2], $0x300, $0x38;
	[tilespmem:$0xDF20] =	vst v63  }
0x19a: {  	_ =	swait.ge [sflag:s12], $0x300  }
0x19b: {  	v33 =	vld [tilespmem:$0x1FED0]  }
0x19c: {  	v31 =	vld [tilespmem:$0x1FEE0]  }
0x19d: {  	v17 =	vld [tilespmem:$0x1FEF0]  }
0x19e: {  	v19 =	vld [tilespmem:$0x1FF00]  }
0x19f: {  	v21 =	vld [tilespmem:$0x1FF10]  }
0x1a0: {  	v41 =	vld [tilespmem:$0x1FF20]  }
0x1a1: {  	v42 =	vld [tilespmem:$0x1FF30]  }
0x1a2: {  	v43 =	vld [tilespmem:$0x1FF40]  }
0x1a3: {  	v44 =	vld [tilespmem:$0x1FF50]  }
0x1a4: {  	v50 =	vld [tilespmem:$0x1FF60]  }
0x1a5: {  	s29 =	sadd.s32 $0x1, s29;
	v14 =	vld [tilespmem:$0x1FF70]  }
0x1a6: {  	p0 =	sne.s32 s29, $0x10;
	v15 =	vld [tilespmem:$0x1FF80]  }
.Ltmp2:
0x1a7: {  	v16 =	vld [tilespmem:$0x1FF90];
	(pc) =	sbr.rel @p0 .LBB2_2-.Ltmp2, $4  }
0x1a8: {  	v20 =	vld [tilespmem:$0x1FFA0]  }
0x1a9: {  	v47 =	vld [tilespmem:$0x1FFB0]  }
0x1aa: {  	[sflag:s12] =	ssyncset.done $0x0;
	v51 =	vld [tilespmem:$0x1FFC0]  }
0x1ab: {  	v46 =	vmovc v54;
	v48 =	vmov v55;
	v45 =	vmov v57;
	v49 =	vmov v56;
	v30 =	vld [tilespmem:$0x1FFD0];
	[sflag:s12] =	ssyncadd.s32 $0xFFFFFD00  }
0x1ac: {  	s28 =	sadd.s32 $0x1, s28  }
0x1ad: {  	p0 =	sne.s32 s28, s11  }
.Ltmp3:
0x1ae: {  	_ = 	snop;
	(pc) =	sbr.rel @p0 .LBB2_1-.Ltmp3, $1  }
0x1af: {  	_ =	sdelay $0x3  }
0x1b0: {  	_ =	sfence.sel $0x180000  }
0x1b1: {  	[bflag:$0x0] =	sbarrier.arrive $0xFFFF  }
0x1b2: {  	_ =	strace $0x90000047  }
0x1b3: {  	[bflag:$0x2] =	sbarrier.arrive $0xFFFF  }
0x1b4: {  	p0 =	sne.s32 s1, $0x0;
	s0 =	rddreg [dreg:$0x3]  }
0x1b5: {  	s0 =	sadd.s32 @!p0 $0x100000, s0  }
0x1b6: {  	[sflag:s0] =	ssyncadd.tile.s32 @!p0 $0x1;
	_ =	shalt  }
.Lfunc_end2:
_tile_overlayer_lowered:
.L_overlay_start_2:
0x1b7: {  	(tag) =	ssettag $0x2  }
0x1b8: {  	s0 =	rddreg [dreg:$0x0];
	s2 =	stileid.u32  }
0x1b9: {  	s1 =	rddreg [dreg:$0x1];
	p0 =	sne.s32 s2, $0x0  }
0x1ba: {  	s3 =	rddreg [dreg:$0x2];
	[bflag:$0x3] =	sbarrier.arrive $0xFFFF;
	s2 =	simm.s32 @!p0 $0x1C02  }
0x1bb: {  	[timem:s3], [sflag:s2] =	dma.local @!p0 [hbm:s0], s1  }
0x1bc: {  	s0 =	simm.s32 @!p0 $0x2  }
0x1bd: {  	_ =	swait.ge @!p0 [sflag:s0], s1  }
0x1be: {  	s1 =	ssub.s32 @!p0 $0x0, s1;
	[sflag:s0] =	ssyncset.done @!p0 $0x0  }
0x1bf: {  	[sflag:s0] =	ssyncadd.s32 @!p0 s1  }
0x1c0: {  	[bflag:$0x3] =	sbarrier.arrive $0xFFFF  }
0x1c1: {  	_ =	shalt  }

</sc_bundles>
